<compile_context>
chip_gen: v7x
topology: tpu7x:2x2x1
jax: 0.10.2.dev20260603
libtpu: 0.0.44.dev20260713+nightly
codegen_flags: <defaults>
</compile_context>

<pallas_src>
import functools

import jax
from jax import lax
from jax.experimental import pallas as pl
from jax.experimental.pallas import tpu as pltpu
from jax.experimental.pallas import tpu_sc as plsc


def _chunk_sizes(rows_per_w):
    if rows_per_w == 256:
        return [16, 64, 56, 64, 56]
    first = min(8, rows_per_w)
    rest = rows_per_w - first
    sizes = [first]
    while rest > 0:
        c = min(56, rest)
        sizes.append(c)
        rest -= c
    return sizes


def _broadcast_rows(table, batch):
    S, D = table.shape
    info = plsc.get_sparse_core_info()
    nw = info.num_cores * info.num_subcores
    rows_per_w = S // nw
    chunks = _chunk_sizes(rows_per_w)
    starts = [sum(chunks[:i]) for i in range(len(chunks))]
    buf0_rows = max(chunks[0::2])
    buf1_rows = max(chunks[1::2]) if len(chunks) > 1 else 1
    mesh = plsc.VectorSubcoreMesh(core_axis_name="c", subcore_axis_name="s")

    @functools.partial(
        pl.kernel,
        mesh=mesh,
        out_type=jax.ShapeDtypeStruct((batch * S, D), table.dtype),
        scratch_types=[
            pltpu.VMEM((buf0_rows, D), table.dtype),
            pltpu.VMEM((buf1_rows, D), table.dtype),
            pltpu.SemaphoreType.DMA,
            pltpu.SemaphoreType.DMA,
        ],
    )
    def k(table_hbm, out_hbm, buf0, buf1, rsem0, rsem1):
        wid = lax.axis_index("s") * info.num_cores + lax.axis_index("c")
        base = wid * rows_per_w
        bufs, rsems = (buf0, buf1), (rsem0, rsem1)

        def start_read(c):
            rows, slot = chunks[c], c % 2
            return pltpu.async_copy(
                table_hbm.at[pl.ds(base + starts[c], rows), :],
                bufs[slot].at[pl.ds(0, rows), :],
                rsems[slot])

        reads = {0: start_read(0)}
        if len(chunks) > 1:
            reads[1] = start_read(1)
        for c in range(len(chunks)):
            rows, slot = chunks[c], c % 2
            reads.pop(c).wait()
            for b in range(batch):
                pltpu.sync_copy(
                    bufs[slot].at[pl.ds(0, rows), :],
                    out_hbm.at[pl.ds(b * S + base + starts[c], rows), :])
            if c + 2 < len(chunks):
                reads[c + 2] = start_read(c + 2)

    return k(table)


def kernel(x, pos_embedding):
    batch, seq = x.shape
    table = pos_embedding[:seq]
    out = _broadcast_rows(table, batch)
    return out.reshape(batch, seq, pos_embedding.shape[1])

# --- scband reference (transcript-rebuilt; emitter-appended) ---
"""Pipeline reference for scband-positional-encoding-7181185319385 (READ-ONLY COPY).

The authoritative reference and input builder live on the scoring server;
editing this copy changes nothing except your own understanding.
"""

import jax, jax.numpy as jnp
import numpy as np


def setup_inputs(seed: int = 0) -> dict:
    key = jax.random.key(seed)
    k_x, k_w = jax.random.split(key)
    # x: only its shape and device matter (positions are derived from seq length),
    # but we fill with token-id-like ints per spec.
    x = jax.random.randint(k_x, (4, 8192), 0, 8192, dtype=jnp.int64)
    # learned positional embedding table: [max_length=8192, h_dim=1024]
    pos_embedding = jax.random.normal(k_w, (8192, 1024), dtype=jnp.float32) * 0.02
    return {"x": x, "pos_embedding": pos_embedding}


def reference(x, pos_embedding):
    # Faithful translation of PositionalEncoding.forward:
    # positions = arange(seq_len) broadcast to x's shape, then embedding lookup.
    seq_length = x.shape[1]
    positions = jnp.broadcast_to(jnp.arange(seq_length, dtype=jnp.int32)[None, :], x.shape)
    return jnp.take(pos_embedding, positions, axis=0)

if __name__ == "__main__":
    import jax
    _d = setup_inputs()
    print(jax.jit(kernel)(*tuple(_d.values())))

</pallas_src>

<mosaic_0001>
#map = affine_map<(d0, d1) -> (0, 0)>
module attributes {stable_mosaic.version = 14 : i64} {
  func.func @k(%arg0: i32, %arg1: i32, %arg2: memref<8192x1024xf32, #tpu.memory_space<hbm>>, %arg3: memref<32768x1024xf32, #tpu.memory_space<hbm>>, %arg4: memref<56x1024xf32, #tpu.memory_space<vmem>>, %arg5: memref<64x1024xf32, #tpu.memory_space<vmem>>, %arg6: memref<!tpu.dma_semaphore, #tpu.memory_space<semaphore_mem>>, %arg7: memref<!tpu.dma_semaphore, #tpu.memory_space<semaphore_mem>>) attributes {dimension_semantics = [#tpu.dimension_semantics<core_parallel>, #tpu.dimension_semantics<subcore_parallel>], iteration_bounds = array<i64: 2, 16>, scalar_prefetch = 0 : i64, scratch_operands = 4 : i64, tpu.core_type = #tpu.core_type<sc_vector_subcore>, window_params = [{transform_indices = #map}, {transform_indices = #map}]} {
    %mul3A = arith.constant 2 : i32
    %mul3A_0 = arith.muli %arg1, %mul3A : i32
    %add3A = arith.addi %mul3A_0, %arg0 : i32
    %mul3A_1 = arith.constant 256 : i32
    %mul3A_2 = arith.muli %add3A, %mul3A_1 : i32
    %add3A_3 = arith.constant 0 : i32
    %add3A_4 = arith.addi %mul3A_2, %add3A_3 : i32
    %dma_start3A = arith.constant 0 : i32
    %dma_start3A_5 = arith.constant 0 : i32
    %dma_start3A_6 = tpu.memref_slice %arg4[%dma_start3A, %dma_start3A_5] : memref<56x1024xf32, #tpu.memory_space<vmem>> -> memref<16x1024xf32, #tpu.memory_space<vmem>>
    %dma_start3A_7 = arith.constant 0 : i32
    %dma_start3A_8 = tpu.memref_slice %arg2[%add3A_4, %dma_start3A_7] : memref<8192x1024xf32, #tpu.memory_space<hbm>> -> memref<16x1024xf32, #tpu.memory_space<hbm>>
    %dma_start3A_9 = arith.constant 0 : i32
    %dma_start3A_10 = arith.constant 0 : i32
    %dma_start3A_11 = tpu.memref_slice %arg4[%dma_start3A_9, %dma_start3A_10] : memref<56x1024xf32, #tpu.memory_space<vmem>> -> memref<16x1024xf32, #tpu.memory_space<vmem>>
    %dma_start3A_12 = arith.constant 0 : i32
    %dma_start3A_13 = tpu.memref_slice %arg2[%add3A_4, %dma_start3A_12] : memref<8192x1024xf32, #tpu.memory_space<hbm>> -> memref<16x1024xf32, #tpu.memory_space<hbm>>
    tpu.enqueue_dma source(%dma_start3A_13 : memref<16x1024xf32, #tpu.memory_space<hbm>>) target(%dma_start3A_11 : memref<16x1024xf32, #tpu.memory_space<vmem>>) target_semaphore(%arg6 : memref<!tpu.dma_semaphore, #tpu.memory_space<semaphore_mem>>)
    %add3A_14 = arith.constant 16 : i32
    %add3A_15 = arith.addi %mul3A_2, %add3A_14 : i32
    %dma_start3A_16 = arith.constant 0 : i32
    %dma_start3A_17 = arith.constant 0 : i32
    %dma_start3A_18 = tpu.memref_slice %arg5[%dma_start3A_16, %dma_start3A_17] : memref<64x1024xf32, #tpu.memory_space<vmem>> -> memref<64x1024xf32, #tpu.memory_space<vmem>>
    %dma_start3A_19 = arith.constant 0 : i32
    %dma_start3A_20 = tpu.memref_slice %arg2[%add3A_15, %dma_start3A_19] : memref<8192x1024xf32, #tpu.memory_space<hbm>> -> memref<64x1024xf32, #tpu.memory_space<hbm>>
    %dma_start3A_21 = arith.constant 0 : i32
    %dma_start3A_22 = arith.constant 0 : i32
    %dma_start3A_23 = tpu.memref_slice %arg5[%dma_start3A_21, %dma_start3A_22] : memref<64x1024xf32, #tpu.memory_space<vmem>> -> memref<64x1024xf32, #tpu.memory_space<vmem>>
    %dma_start3A_24 = arith.constant 0 : i32
    %dma_start3A_25 = tpu.memref_slice %arg2[%add3A_15, %dma_start3A_24] : memref<8192x1024xf32, #tpu.memory_space<hbm>> -> memref<64x1024xf32, #tpu.memory_space<hbm>>
    tpu.enqueue_dma source(%dma_start3A_25 : memref<64x1024xf32, #tpu.memory_space<hbm>>) target(%dma_start3A_23 : memref<64x1024xf32, #tpu.memory_space<vmem>>) target_semaphore(%arg7 : memref<!tpu.dma_semaphore, #tpu.memory_space<semaphore_mem>>)
    %dma_wait3A = arith.constant 0 : i32
    %dma_wait3A_26 = arith.constant 0 : i32
    %dma_wait3A_27 = tpu.memref_slice %arg4[%dma_wait3A, %dma_wait3A_26] : memref<56x1024xf32, #tpu.memory_space<vmem>> -> memref<16x1024xf32, #tpu.memory_space<vmem>>
    %dma_wait3A_28 = arith.constant 0 : i32
    %dma_wait3A_29 = tpu.memref_slice %arg2[%add3A_4, %dma_wait3A_28] : memref<8192x1024xf32, #tpu.memory_space<hbm>> -> memref<16x1024xf32, #tpu.memory_space<hbm>>
    %dma_wait3A_30 = arith.constant 0 : i32
    %dma_wait3A_31 = arith.constant 0 : i32
    %dma_wait3A_32 = tpu.memref_slice %arg4[%dma_wait3A_30, %dma_wait3A_31] : memref<56x1024xf32, #tpu.memory_space<vmem>> -> memref<16x1024xf32, #tpu.memory_space<vmem>>
    %dma_wait3A_33 = arith.constant 0 : i32
    %dma_wait3A_34 = tpu.memref_slice %arg2[%add3A_4, %dma_wait3A_33] : memref<8192x1024xf32, #tpu.memory_space<hbm>> -> memref<16x1024xf32, #tpu.memory_space<hbm>>
    tpu.wait_dma2 semaphore(%arg6 : memref<!tpu.dma_semaphore, #tpu.memory_space<semaphore_mem>>) src(%dma_wait3A_34 : memref<16x1024xf32, #tpu.memory_space<hbm>>) dst(%dma_wait3A_32 : memref<16x1024xf32, #tpu.memory_space<vmem>>)
    %add3A_35 = arith.constant 0 : i32
    %add3A_36 = arith.addi %add3A_35, %mul3A_2 : i32
    %add3A_37 = arith.constant 0 : i32
    %add3A_38 = arith.addi %add3A_36, %add3A_37 : i32
    "tpu.region"() ({
      %run_scoped3A = tpu.sem_alloc : memref<!tpu.dma_semaphore, #tpu.memory_space<semaphore_mem>>
      %dma_start3A_191 = arith.constant 0 : i32
      %dma_start3A_192 = arith.constant 0 : i32
      %dma_start3A_193 = tpu.memref_slice %arg4[%dma_start3A_191, %dma_start3A_192] : memref<56x1024xf32, #tpu.memory_space<vmem>> -> memref<16x1024xf32, #tpu.memory_space<vmem>>
      %dma_start3A_194 = arith.constant 0 : i32
      %dma_start3A_195 = tpu.memref_slice %arg3[%add3A_38, %dma_start3A_194] : memref<32768x1024xf32, #tpu.memory_space<hbm>> -> memref<16x1024xf32, #tpu.memory_space<hbm>>
      %dma_start3A_196 = arith.constant 0 : i32
      %dma_start3A_197 = tpu.memref_slice %arg3[%add3A_38, %dma_start3A_196] : memref<32768x1024xf32, #tpu.memory_space<hbm>> -> memref<16x1024xf32, #tpu.memory_space<hbm>>
      %dma_start3A_198 = arith.constant 0 : i32
      %dma_start3A_199 = arith.constant 0 : i32
      %dma_start3A_200 = tpu.memref_slice %arg4[%dma_start3A_198, %dma_start3A_199] : memref<56x1024xf32, #tpu.memory_space<vmem>> -> memref<16x1024xf32, #tpu.memory_space<vmem>>
      tpu.enqueue_dma source(%dma_start3A_200 : memref<16x1024xf32, #tpu.memory_space<vmem>>) target(%dma_start3A_197 : memref<16x1024xf32, #tpu.memory_space<hbm>>) target_semaphore(%run_scoped3A : memref<!tpu.dma_semaphore, #tpu.memory_space<semaphore_mem>>)
      %dma_wait3A_201 = arith.constant 0 : i32
      %dma_wait3A_202 = arith.constant 0 : i32
      %dma_wait3A_203 = tpu.memref_slice %arg4[%dma_wait3A_201, %dma_wait3A_202] : memref<56x1024xf32, #tpu.memory_space<vmem>> -> memref<16x1024xf32, #tpu.memory_space<vmem>>
      %dma_wait3A_204 = arith.constant 0 : i32
      %dma_wait3A_205 = tpu.memref_slice %arg3[%add3A_38, %dma_wait3A_204] : memref<32768x1024xf32, #tpu.memory_space<hbm>> -> memref<16x1024xf32, #tpu.memory_space<hbm>>
      %dma_wait3A_206 = arith.constant 0 : i32
      %dma_wait3A_207 = tpu.memref_slice %arg3[%add3A_38, %dma_wait3A_206] : memref<32768x1024xf32, #tpu.memory_space<hbm>> -> memref<16x1024xf32, #tpu.memory_space<hbm>>
      %dma_wait3A_208 = arith.constant 0 : i32
      %dma_wait3A_209 = arith.constant 0 : i32
      %dma_wait3A_210 = tpu.memref_slice %arg4[%dma_wait3A_208, %dma_wait3A_209] : memref<56x1024xf32, #tpu.memory_space<vmem>> -> memref<16x1024xf32, #tpu.memory_space<vmem>>
      tpu.wait_dma2 semaphore(%run_scoped3A : memref<!tpu.dma_semaphore, #tpu.memory_space<semaphore_mem>>) src(%dma_wait3A_210 : memref<16x1024xf32, #tpu.memory_space<vmem>>) dst(%dma_wait3A_207 : memref<16x1024xf32, #tpu.memory_space<hbm>>)
      tpu.yield
    }) : () -> ()
    %add3A_39 = arith.constant 8192 : i32
    %add3A_40 = arith.addi %add3A_39, %mul3A_2 : i32
    %add3A_41 = arith.constant 0 : i32
    %add3A_42 = arith.addi %add3A_40, %add3A_41 : i32
    "tpu.region"() ({
      %run_scoped3A = tpu.sem_alloc : memref<!tpu.dma_semaphore, #tpu.memory_space<semaphore_mem>>
      %dma_start3A_191 = arith.constant 0 : i32
      %dma_start3A_192 = arith.constant 0 : i32
      %dma_start3A_193 = tpu.memref_slice %arg4[%dma_start3A_191, %dma_start3A_192] : memref<56x1024xf32, #tpu.memory_space<vmem>> -> memref<16x1024xf32, #tpu.memory_space<vmem>>
      %dma_start3A_194 = arith.constant 0 : i32
      %dma_start3A_195 = tpu.memref_slice %arg3[%add3A_42, %dma_start3A_194] : memref<32768x1024xf32, #tpu.memory_space<hbm>> -> memref<16x1024xf32, #tpu.memory_space<hbm>>
      %dma_start3A_196 = arith.constant 0 : i32
      %dma_start3A_197 = tpu.memref_slice %arg3[%add3A_42, %dma_start3A_196] : memref<32768x1024xf32, #tpu.memory_space<hbm>> -> memref<16x1024xf32, #tpu.memory_space<hbm>>
      %dma_start3A_198 = arith.constant 0 : i32
      %dma_start3A_199 = arith.constant 0 : i32
      %dma_start3A_200 = tpu.memref_slice %arg4[%dma_start3A_198, %dma_start3A_199] : memref<56x1024xf32, #tpu.memory_space<vmem>> -> memref<16x1024xf32, #tpu.memory_space<vmem>>
      tpu.enqueue_dma source(%dma_start3A_200 : memref<16x1024xf32, #tpu.memory_space<vmem>>) target(%dma_start3A_197 : memref<16x1024xf32, #tpu.memory_space<hbm>>) target_semaphore(%run_scoped3A : memref<!tpu.dma_semaphore, #tpu.memory_space<semaphore_mem>>)
      %dma_wait3A_201 = arith.constant 0 : i32
      %dma_wait3A_202 = arith.constant 0 : i32
      %dma_wait3A_203 = tpu.memref_slice %arg4[%dma_wait3A_201, %dma_wait3A_202] : memref<56x1024xf32, #tpu.memory_space<vmem>> -> memref<16x1024xf32, #tpu.memory_space<vmem>>
      %dma_wait3A_204 = arith.constant 0 : i32
      %dma_wait3A_205 = tpu.memref_slice %arg3[%add3A_42, %dma_wait3A_204] : memref<32768x1024xf32, #tpu.memory_space<hbm>> -> memref<16x1024xf32, #tpu.memory_space<hbm>>
      %dma_wait3A_206 = arith.constant 0 : i32
      %dma_wait3A_207 = tpu.memref_slice %arg3[%add3A_42, %dma_wait3A_206] : memref<32768x1024xf32, #tpu.memory_space<hbm>> -> memref<16x1024xf32, #tpu.memory_space<hbm>>
      %dma_wait3A_208 = arith.constant 0 : i32
      %dma_wait3A_209 = arith.constant 0 : i32
      %dma_wait3A_210 = tpu.memref_slice %arg4[%dma_wait3A_208, %dma_wait3A_209] : memref<56x1024xf32, #tpu.memory_space<vmem>> -> memref<16x1024xf32, #tpu.memory_space<vmem>>
      tpu.wait_dma2 semaphore(%run_scoped3A : memref<!tpu.dma_semaphore, #tpu.memory_space<semaphore_mem>>) src(%dma_wait3A_210 : memref<16x1024xf32, #tpu.memory_space<vmem>>) dst(%dma_wait3A_207 : memref<16x1024xf32, #tpu.memory_space<hbm>>)
      tpu.yield
    }) : () -> ()
    %add3A_43 = arith.constant 16384 : i32
    %add3A_44 = arith.addi %add3A_43, %mul3A_2 : i32
    %add3A_45 = arith.constant 0 : i32
    %add3A_46 = arith.addi %add3A_44, %add3A_45 : i32
    "tpu.region"() ({
      %run_scoped3A = tpu.sem_alloc : memref<!tpu.dma_semaphore, #tpu.memory_space<semaphore_mem>>
      %dma_start3A_191 = arith.constant 0 : i32
      %dma_start3A_192 = arith.constant 0 : i32
      %dma_start3A_193 = tpu.memref_slice %arg4[%dma_start3A_191, %dma_start3A_192] : memref<56x1024xf32, #tpu.memory_space<vmem>> -> memref<16x1024xf32, #tpu.memory_space<vmem>>
      %dma_start3A_194 = arith.constant 0 : i32
      %dma_start3A_195 = tpu.memref_slice %arg3[%add3A_46, %dma_start3A_194] : memref<32768x1024xf32, #tpu.memory_space<hbm>> -> memref<16x1024xf32, #tpu.memory_space<hbm>>
      %dma_start3A_196 = arith.constant 0 : i32
      %dma_start3A_197 = tpu.memref_slice %arg3[%add3A_46, %dma_start3A_196] : memref<32768x1024xf32, #tpu.memory_space<hbm>> -> memref<16x1024xf32, #tpu.memory_space<hbm>>
      %dma_start3A_198 = arith.constant 0 : i32
      %dma_start3A_199 = arith.constant 0 : i32
      %dma_start3A_200 = tpu.memref_slice %arg4[%dma_start3A_198, %dma_start3A_199] : memref<56x1024xf32, #tpu.memory_space<vmem>> -> memref<16x1024xf32, #tpu.memory_space<vmem>>
      tpu.enqueue_dma source(%dma_start3A_200 : memref<16x1024xf32, #tpu.memory_space<vmem>>) target(%dma_start3A_197 : memref<16x1024xf32, #tpu.memory_space<hbm>>) target_semaphore(%run_scoped3A : memref<!tpu.dma_semaphore, #tpu.memory_space<semaphore_mem>>)
      %dma_wait3A_201 = arith.constant 0 : i32
      %dma_wait3A_202 = arith.constant 0 : i32
      %dma_wait3A_203 = tpu.memref_slice %arg4[%dma_wait3A_201, %dma_wait3A_202] : memref<56x1024xf32, #tpu.memory_space<vmem>> -> memref<16x1024xf32, #tpu.memory_space<vmem>>
      %dma_wait3A_204 = arith.constant 0 : i32
      %dma_wait3A_205 = tpu.memref_slice %arg3[%add3A_46, %dma_wait3A_204] : memref<32768x1024xf32, #tpu.memory_space<hbm>> -> memref<16x1024xf32, #tpu.memory_space<hbm>>
      %dma_wait3A_206 = arith.constant 0 : i32
      %dma_wait3A_207 = tpu.memref_slice %arg3[%add3A_46, %dma_wait3A_206] : memref<32768x1024xf32, #tpu.memory_space<hbm>> -> memref<16x1024xf32, #tpu.memory_space<hbm>>
      %dma_wait3A_208 = arith.constant 0 : i32
      %dma_wait3A_209 = arith.constant 0 : i32
      %dma_wait3A_210 = tpu.memref_slice %arg4[%dma_wait3A_208, %dma_wait3A_209] : memref<56x1024xf32, #tpu.memory_space<vmem>> -> memref<16x1024xf32, #tpu.memory_space<vmem>>
      tpu.wait_dma2 semaphore(%run_scoped3A : memref<!tpu.dma_semaphore, #tpu.memory_space<semaphore_mem>>) src(%dma_wait3A_210 : memref<16x1024xf32, #tpu.memory_space<vmem>>) dst(%dma_wait3A_207 : memref<16x1024xf32, #tpu.memory_space<hbm>>)
      tpu.yield
    }) : () -> ()
    %add3A_47 = arith.constant 24576 : i32
    %add3A_48 = arith.addi %add3A_47, %mul3A_2 : i32
    %add3A_49 = arith.constant 0 : i32
    %add3A_50 = arith.addi %add3A_48, %add3A_49 : i32
    "tpu.region"() ({
      %run_scoped3A = tpu.sem_alloc : memref<!tpu.dma_semaphore, #tpu.memory_space<semaphore_mem>>
      %dma_start3A_191 = arith.constant 0 : i32
      %dma_start3A_192 = arith.constant 0 : i32
      %dma_start3A_193 = tpu.memref_slice %arg4[%dma_start3A_191, %dma_start3A_192] : memref<56x1024xf32, #tpu.memory_space<vmem>> -> memref<16x1024xf32, #tpu.memory_space<vmem>>
      %dma_start3A_194 = arith.constant 0 : i32
      %dma_start3A_195 = tpu.memref_slice %arg3[%add3A_50, %dma_start3A_194] : memref<32768x1024xf32, #tpu.memory_space<hbm>> -> memref<16x1024xf32, #tpu.memory_space<hbm>>
      %dma_start3A_196 = arith.constant 0 : i32
      %dma_start3A_197 = tpu.memref_slice %arg3[%add3A_50, %dma_start3A_196] : memref<32768x1024xf32, #tpu.memory_space<hbm>> -> memref<16x1024xf32, #tpu.memory_space<hbm>>
      %dma_start3A_198 = arith.constant 0 : i32
      %dma_start3A_199 = arith.constant 0 : i32
      %dma_start3A_200 = tpu.memref_slice %arg4[%dma_start3A_198, %dma_start3A_199] : memref<56x1024xf32, #tpu.memory_space<vmem>> -> memref<16x1024xf32, #tpu.memory_space<vmem>>
      tpu.enqueue_dma source(%dma_start3A_200 : memref<16x1024xf32, #tpu.memory_space<vmem>>) target(%dma_start3A_197 : memref<16x1024xf32, #tpu.memory_space<hbm>>) target_semaphore(%run_scoped3A : memref<!tpu.dma_semaphore, #tpu.memory_space<semaphore_mem>>)
      %dma_wait3A_201 = arith.constant 0 : i32
      %dma_wait3A_202 = arith.constant 0 : i32
      %dma_wait3A_203 = tpu.memref_slice %arg4[%dma_wait3A_201, %dma_wait3A_202] : memref<56x1024xf32, #tpu.memory_space<vmem>> -> memref<16x1024xf32, #tpu.memory_space<vmem>>
      %dma_wait3A_204 = arith.constant 0 : i32
      %dma_wait3A_205 = tpu.memref_slice %arg3[%add3A_50, %dma_wait3A_204] : memref<32768x1024xf32, #tpu.memory_space<hbm>> -> memref<16x1024xf32, #tpu.memory_space<hbm>>
      %dma_wait3A_206 = arith.constant 0 : i32
      %dma_wait3A_207 = tpu.memref_slice %arg3[%add3A_50, %dma_wait3A_206] : memref<32768x1024xf32, #tpu.memory_space<hbm>> -> memref<16x1024xf32, #tpu.memory_space<hbm>>
      %dma_wait3A_208 = arith.constant 0 : i32
      %dma_wait3A_209 = arith.constant 0 : i32
      %dma_wait3A_210 = tpu.memref_slice %arg4[%dma_wait3A_208, %dma_wait3A_209] : memref<56x1024xf32, #tpu.memory_space<vmem>> -> memref<16x1024xf32, #tpu.memory_space<vmem>>
      tpu.wait_dma2 semaphore(%run_scoped3A : memref<!tpu.dma_semaphore, #tpu.memory_space<semaphore_mem>>) src(%dma_wait3A_210 : memref<16x1024xf32, #tpu.memory_space<vmem>>) dst(%dma_wait3A_207 : memref<16x1024xf32, #tpu.memory_space<hbm>>)
      tpu.yield
    }) : () -> ()
    %add3A_51 = arith.constant 80 : i32
    %add3A_52 = arith.addi %mul3A_2, %add3A_51 : i32
    %dma_start3A_53 = arith.constant 0 : i32
    %dma_start3A_54 = arith.constant 0 : i32
    %dma_start3A_55 = tpu.memref_slice %arg4[%dma_start3A_53, %dma_start3A_54] : memref<56x1024xf32, #tpu.memory_space<vmem>> -> memref<56x1024xf32, #tpu.memory_space<vmem>>
    %dma_start3A_56 = arith.constant 0 : i32
    %dma_start3A_57 = tpu.memref_slice %arg2[%add3A_52, %dma_start3A_56] : memref<8192x1024xf32, #tpu.memory_space<hbm>> -> memref<56x1024xf32, #tpu.memory_space<hbm>>
    %dma_start3A_58 = arith.constant 0 : i32
    %dma_start3A_59 = arith.constant 0 : i32
    %dma_start3A_60 = tpu.memref_slice %arg4[%dma_start3A_58, %dma_start3A_59] : memref<56x1024xf32, #tpu.memory_space<vmem>> -> memref<56x1024xf32, #tpu.memory_space<vmem>>
    %dma_start3A_61 = arith.constant 0 : i32
    %dma_start3A_62 = tpu.memref_slice %arg2[%add3A_52, %dma_start3A_61] : memref<8192x1024xf32, #tpu.memory_space<hbm>> -> memref<56x1024xf32, #tpu.memory_space<hbm>>
    tpu.enqueue_dma source(%dma_start3A_62 : memref<56x1024xf32, #tpu.memory_space<hbm>>) target(%dma_start3A_60 : memref<56x1024xf32, #tpu.memory_space<vmem>>) target_semaphore(%arg6 : memref<!tpu.dma_semaphore, #tpu.memory_space<semaphore_mem>>)
    %dma_wait3A_63 = arith.constant 0 : i32
    %dma_wait3A_64 = arith.constant 0 : i32
    %dma_wait3A_65 = tpu.memref_slice %arg5[%dma_wait3A_63, %dma_wait3A_64] : memref<64x1024xf32, #tpu.memory_space<vmem>> -> memref<64x1024xf32, #tpu.memory_space<vmem>>
    %dma_wait3A_66 = arith.constant 0 : i32
    %dma_wait3A_67 = tpu.memref_slice %arg2[%add3A_15, %dma_wait3A_66] : memref<8192x1024xf32, #tpu.memory_space<hbm>> -> memref<64x1024xf32, #tpu.memory_space<hbm>>
    %dma_wait3A_68 = arith.constant 0 : i32
    %dma_wait3A_69 = arith.constant 0 : i32
    %dma_wait3A_70 = tpu.memref_slice %arg5[%dma_wait3A_68, %dma_wait3A_69] : memref<64x1024xf32, #tpu.memory_space<vmem>> -> memref<64x1024xf32, #tpu.memory_space<vmem>>
    %dma_wait3A_71 = arith.constant 0 : i32
    %dma_wait3A_72 = tpu.memref_slice %arg2[%add3A_15, %dma_wait3A_71] : memref<8192x1024xf32, #tpu.memory_space<hbm>> -> memref<64x1024xf32, #tpu.memory_space<hbm>>
    tpu.wait_dma2 semaphore(%arg7 : memref<!tpu.dma_semaphore, #tpu.memory_space<semaphore_mem>>) src(%dma_wait3A_72 : memref<64x1024xf32, #tpu.memory_space<hbm>>) dst(%dma_wait3A_70 : memref<64x1024xf32, #tpu.memory_space<vmem>>)
    %add3A_73 = arith.constant 0 : i32
    %add3A_74 = arith.addi %add3A_73, %mul3A_2 : i32
    %add3A_75 = arith.constant 16 : i32
    %add3A_76 = arith.addi %add3A_74, %add3A_75 : i32
    "tpu.region"() ({
      %run_scoped3A = tpu.sem_alloc : memref<!tpu.dma_semaphore, #tpu.memory_space<semaphore_mem>>
      %dma_start3A_191 = arith.constant 0 : i32
      %dma_start3A_192 = arith.constant 0 : i32
      %dma_start3A_193 = tpu.memref_slice %arg5[%dma_start3A_191, %dma_start3A_192] : memref<64x1024xf32, #tpu.memory_space<vmem>> -> memref<64x1024xf32, #tpu.memory_space<vmem>>
      %dma_start3A_194 = arith.constant 0 : i32
      %dma_start3A_195 = tpu.memref_slice %arg3[%add3A_76, %dma_start3A_194] : memref<32768x1024xf32, #tpu.memory_space<hbm>> -> memref<64x1024xf32, #tpu.memory_space<hbm>>
      %dma_start3A_196 = arith.constant 0 : i32
      %dma_start3A_197 = tpu.memref_slice %arg3[%add3A_76, %dma_start3A_196] : memref<32768x1024xf32, #tpu.memory_space<hbm>> -> memref<64x1024xf32, #tpu.memory_space<hbm>>
      %dma_start3A_198 = arith.constant 0 : i32
      %dma_start3A_199 = arith.constant 0 : i32
      %dma_start3A_200 = tpu.memref_slice %arg5[%dma_start3A_198, %dma_start3A_199] : memref<64x1024xf32, #tpu.memory_space<vmem>> -> memref<64x1024xf32, #tpu.memory_space<vmem>>
      tpu.enqueue_dma source(%dma_start3A_200 : memref<64x1024xf32, #tpu.memory_space<vmem>>) target(%dma_start3A_197 : memref<64x1024xf32, #tpu.memory_space<hbm>>) target_semaphore(%run_scoped3A : memref<!tpu.dma_semaphore, #tpu.memory_space<semaphore_mem>>)
      %dma_wait3A_201 = arith.constant 0 : i32
      %dma_wait3A_202 = arith.constant 0 : i32
      %dma_wait3A_203 = tpu.memref_slice %arg5[%dma_wait3A_201, %dma_wait3A_202] : memref<64x1024xf32, #tpu.memory_space<vmem>> -> memref<64x1024xf32, #tpu.memory_space<vmem>>
      %dma_wait3A_204 = arith.constant 0 : i32
      %dma_wait3A_205 = tpu.memref_slice %arg3[%add3A_76, %dma_wait3A_204] : memref<32768x1024xf32, #tpu.memory_space<hbm>> -> memref<64x1024xf32, #tpu.memory_space<hbm>>
      %dma_wait3A_206 = arith.constant 0 : i32
      %dma_wait3A_207 = tpu.memref_slice %arg3[%add3A_76, %dma_wait3A_206] : memref<32768x1024xf32, #tpu.memory_space<hbm>> -> memref<64x1024xf32, #tpu.memory_space<hbm>>
      %dma_wait3A_208 = arith.constant 0 : i32
      %dma_wait3A_209 = arith.constant 0 : i32
      %dma_wait3A_210 = tpu.memref_slice %arg5[%dma_wait3A_208, %dma_wait3A_209] : memref<64x1024xf32, #tpu.memory_space<vmem>> -> memref<64x1024xf32, #tpu.memory_space<vmem>>
      tpu.wait_dma2 semaphore(%run_scoped3A : memref<!tpu.dma_semaphore, #tpu.memory_space<semaphore_mem>>) src(%dma_wait3A_210 : memref<64x1024xf32, #tpu.memory_space<vmem>>) dst(%dma_wait3A_207 : memref<64x1024xf32, #tpu.memory_space<hbm>>)
      tpu.yield
    }) : () -> ()
    %add3A_77 = arith.constant 8192 : i32
    %add3A_78 = arith.addi %add3A_77, %mul3A_2 : i32
    %add3A_79 = arith.constant 16 : i32
    %add3A_80 = arith.addi %add3A_78, %add3A_79 : i32
    "tpu.region"() ({
      %run_scoped3A = tpu.sem_alloc : memref<!tpu.dma_semaphore, #tpu.memory_space<semaphore_mem>>
      %dma_start3A_191 = arith.constant 0 : i32
      %dma_start3A_192 = arith.constant 0 : i32
      %dma_start3A_193 = tpu.memref_slice %arg5[%dma_start3A_191, %dma_start3A_192] : memref<64x1024xf32, #tpu.memory_space<vmem>> -> memref<64x1024xf32, #tpu.memory_space<vmem>>
      %dma_start3A_194 = arith.constant 0 : i32
      %dma_start3A_195 = tpu.memref_slice %arg3[%add3A_80, %dma_start3A_194] : memref<32768x1024xf32, #tpu.memory_space<hbm>> -> memref<64x1024xf32, #tpu.memory_space<hbm>>
      %dma_start3A_196 = arith.constant 0 : i32
      %dma_start3A_197 = tpu.memref_slice %arg3[%add3A_80, %dma_start3A_196] : memref<32768x1024xf32, #tpu.memory_space<hbm>> -> memref<64x1024xf32, #tpu.memory_space<hbm>>
      %dma_start3A_198 = arith.constant 0 : i32
      %dma_start3A_199 = arith.constant 0 : i32
      %dma_start3A_200 = tpu.memref_slice %arg5[%dma_start3A_198, %dma_start3A_199] : memref<64x1024xf32, #tpu.memory_space<vmem>> -> memref<64x1024xf32, #tpu.memory_space<vmem>>
      tpu.enqueue_dma source(%dma_start3A_200 : memref<64x1024xf32, #tpu.memory_space<vmem>>) target(%dma_start3A_197 : memref<64x1024xf32, #tpu.memory_space<hbm>>) target_semaphore(%run_scoped3A : memref<!tpu.dma_semaphore, #tpu.memory_space<semaphore_mem>>)
      %dma_wait3A_201 = arith.constant 0 : i32
      %dma_wait3A_202 = arith.constant 0 : i32
      %dma_wait3A_203 = tpu.memref_slice %arg5[%dma_wait3A_201, %dma_wait3A_202] : memref<64x1024xf32, #tpu.memory_space<vmem>> -> memref<64x1024xf32, #tpu.memory_space<vmem>>
      %dma_wait3A_204 = arith.constant 0 : i32
      %dma_wait3A_205 = tpu.memref_slice %arg3[%add3A_80, %dma_wait3A_204] : memref<32768x1024xf32, #tpu.memory_space<hbm>> -> memref<64x1024xf32, #tpu.memory_space<hbm>>
      %dma_wait3A_206 = arith.constant 0 : i32
      %dma_wait3A_207 = tpu.memref_slice %arg3[%add3A_80, %dma_wait3A_206] : memref<32768x1024xf32, #tpu.memory_space<hbm>> -> memref<64x1024xf32, #tpu.memory_space<hbm>>
      %dma_wait3A_208 = arith.constant 0 : i32
      %dma_wait3A_209 = arith.constant 0 : i32
      %dma_wait3A_210 = tpu.memref_slice %arg5[%dma_wait3A_208, %dma_wait3A_209] : memref<64x1024xf32, #tpu.memory_space<vmem>> -> memref<64x1024xf32, #tpu.memory_space<vmem>>
      tpu.wait_dma2 semaphore(%run_scoped3A : memref<!tpu.dma_semaphore, #tpu.memory_space<semaphore_mem>>) src(%dma_wait3A_210 : memref<64x1024xf32, #tpu.memory_space<vmem>>) dst(%dma_wait3A_207 : memref<64x1024xf32, #tpu.memory_space<hbm>>)
      tpu.yield
    }) : () -> ()
    %add3A_81 = arith.constant 16384 : i32
    %add3A_82 = arith.addi %add3A_81, %mul3A_2 : i32
    %add3A_83 = arith.constant 16 : i32
    %add3A_84 = arith.addi %add3A_82, %add3A_83 : i32
    "tpu.region"() ({
      %run_scoped3A = tpu.sem_alloc : memref<!tpu.dma_semaphore, #tpu.memory_space<semaphore_mem>>
      %dma_start3A_191 = arith.constant 0 : i32
      %dma_start3A_192 = arith.constant 0 : i32
      %dma_start3A_193 = tpu.memref_slice %arg5[%dma_start3A_191, %dma_start3A_192] : memref<64x1024xf32, #tpu.memory_space<vmem>> -> memref<64x1024xf32, #tpu.memory_space<vmem>>
      %dma_start3A_194 = arith.constant 0 : i32
      %dma_start3A_195 = tpu.memref_slice %arg3[%add3A_84, %dma_start3A_194] : memref<32768x1024xf32, #tpu.memory_space<hbm>> -> memref<64x1024xf32, #tpu.memory_space<hbm>>
      %dma_start3A_196 = arith.constant 0 : i32
      %dma_start3A_197 = tpu.memref_slice %arg3[%add3A_84, %dma_start3A_196] : memref<32768x1024xf32, #tpu.memory_space<hbm>> -> memref<64x1024xf32, #tpu.memory_space<hbm>>
      %dma_start3A_198 = arith.constant 0 : i32
      %dma_start3A_199 = arith.constant 0 : i32
      %dma_start3A_200 = tpu.memref_slice %arg5[%dma_start3A_198, %dma_start3A_199] : memref<64x1024xf32, #tpu.memory_space<vmem>> -> memref<64x1024xf32, #tpu.memory_space<vmem>>
      tpu.enqueue_dma source(%dma_start3A_200 : memref<64x1024xf32, #tpu.memory_space<vmem>>) target(%dma_start3A_197 : memref<64x1024xf32, #tpu.memory_space<hbm>>) target_semaphore(%run_scoped3A : memref<!tpu.dma_semaphore, #tpu.memory_space<semaphore_mem>>)
      %dma_wait3A_201 = arith.constant 0 : i32
      %dma_wait3A_202 = arith.constant 0 : i32
      %dma_wait3A_203 = tpu.memref_slice %arg5[%dma_wait3A_201, %dma_wait3A_202] : memref<64x1024xf32, #tpu.memory_space<vmem>> -> memref<64x1024xf32, #tpu.memory_space<vmem>>
      %dma_wait3A_204 = arith.constant 0 : i32
      %dma_wait3A_205 = tpu.memref_slice %arg3[%add3A_84, %dma_wait3A_204] : memref<32768x1024xf32, #tpu.memory_space<hbm>> -> memref<64x1024xf32, #tpu.memory_space<hbm>>
      %dma_wait3A_206 = arith.constant 0 : i32
      %dma_wait3A_207 = tpu.memref_slice %arg3[%add3A_84, %dma_wait3A_206] : memref<32768x1024xf32, #tpu.memory_space<hbm>> -> memref<64x1024xf32, #tpu.memory_space<hbm>>
      %dma_wait3A_208 = arith.constant 0 : i32
      %dma_wait3A_209 = arith.constant 0 : i32
      %dma_wait3A_210 = tpu.memref_slice %arg5[%dma_wait3A_208, %dma_wait3A_209] : memref<64x1024xf32, #tpu.memory_space<vmem>> -> memref<64x1024xf32, #tpu.memory_space<vmem>>
      tpu.wait_dma2 semaphore(%run_scoped3A : memref<!tpu.dma_semaphore, #tpu.memory_space<semaphore_mem>>) src(%dma_wait3A_210 : memref<64x1024xf32, #tpu.memory_space<vmem>>) dst(%dma_wait3A_207 : memref<64x1024xf32, #tpu.memory_space<hbm>>)
      tpu.yield
    }) : () -> ()
    %add3A_85 = arith.constant 24576 : i32
    %add3A_86 = arith.addi %add3A_85, %mul3A_2 : i32
    %add3A_87 = arith.constant 16 : i32
    %add3A_88 = arith.addi %add3A_86, %add3A_87 : i32
    "tpu.region"() ({
      %run_scoped3A = tpu.sem_alloc : memref<!tpu.dma_semaphore, #tpu.memory_space<semaphore_mem>>
      %dma_start3A_191 = arith.constant 0 : i32
      %dma_start3A_192 = arith.constant 0 : i32
      %dma_start3A_193 = tpu.memref_slice %arg5[%dma_start3A_191, %dma_start3A_192] : memref<64x1024xf32, #tpu.memory_space<vmem>> -> memref<64x1024xf32, #tpu.memory_space<vmem>>
      %dma_start3A_194 = arith.constant 0 : i32
      %dma_start3A_195 = tpu.memref_slice %arg3[%add3A_88, %dma_start3A_194] : memref<32768x1024xf32, #tpu.memory_space<hbm>> -> memref<64x1024xf32, #tpu.memory_space<hbm>>
      %dma_start3A_196 = arith.constant 0 : i32
      %dma_start3A_197 = tpu.memref_slice %arg3[%add3A_88, %dma_start3A_196] : memref<32768x1024xf32, #tpu.memory_space<hbm>> -> memref<64x1024xf32, #tpu.memory_space<hbm>>
      %dma_start3A_198 = arith.constant 0 : i32
      %dma_start3A_199 = arith.constant 0 : i32
      %dma_start3A_200 = tpu.memref_slice %arg5[%dma_start3A_198, %dma_start3A_199] : memref<64x1024xf32, #tpu.memory_space<vmem>> -> memref<64x1024xf32, #tpu.memory_space<vmem>>
      tpu.enqueue_dma source(%dma_start3A_200 : memref<64x1024xf32, #tpu.memory_space<vmem>>) target(%dma_start3A_197 : memref<64x1024xf32, #tpu.memory_space<hbm>>) target_semaphore(%run_scoped3A : memref<!tpu.dma_semaphore, #tpu.memory_space<semaphore_mem>>)
      %dma_wait3A_201 = arith.constant 0 : i32
      %dma_wait3A_202 = arith.constant 0 : i32
      %dma_wait3A_203 = tpu.memref_slice %arg5[%dma_wait3A_201, %dma_wait3A_202] : memref<64x1024xf32, #tpu.memory_space<vmem>> -> memref<64x1024xf32, #tpu.memory_space<vmem>>
      %dma_wait3A_204 = arith.constant 0 : i32
      %dma_wait3A_205 = tpu.memref_slice %arg3[%add3A_88, %dma_wait3A_204] : memref<32768x1024xf32, #tpu.memory_space<hbm>> -> memref<64x1024xf32, #tpu.memory_space<hbm>>
      %dma_wait3A_206 = arith.constant 0 : i32
      %dma_wait3A_207 = tpu.memref_slice %arg3[%add3A_88, %dma_wait3A_206] : memref<32768x1024xf32, #tpu.memory_space<hbm>> -> memref<64x1024xf32, #tpu.memory_space<hbm>>
      %dma_wait3A_208 = arith.constant 0 : i32
      %dma_wait3A_209 = arith.constant 0 : i32
      %dma_wait3A_210 = tpu.memref_slice %arg5[%dma_wait3A_208, %dma_wait3A_209] : memref<64x1024xf32, #tpu.memory_space<vmem>> -> memref<64x1024xf32, #tpu.memory_space<vmem>>
      tpu.wait_dma2 semaphore(%run_scoped3A : memref<!tpu.dma_semaphore, #tpu.memory_space<semaphore_mem>>) src(%dma_wait3A_210 : memref<64x1024xf32, #tpu.memory_space<vmem>>) dst(%dma_wait3A_207 : memref<64x1024xf32, #tpu.memory_space<hbm>>)
      tpu.yield
    }) : () -> ()
    %add3A_89 = arith.constant 136 : i32
    %add3A_90 = arith.addi %mul3A_2, %add3A_89 : i32
    %dma_start3A_91 = arith.constant 0 : i32
    %dma_start3A_92 = arith.constant 0 : i32
    %dma_start3A_93 = tpu.memref_slice %arg5[%dma_start3A_91, %dma_start3A_92] : memref<64x1024xf32, #tpu.memory_space<vmem>> -> memref<64x1024xf32, #tpu.memory_space<vmem>>
    %dma_start3A_94 = arith.constant 0 : i32
    %dma_start3A_95 = tpu.memref_slice %arg2[%add3A_90, %dma_start3A_94] : memref<8192x1024xf32, #tpu.memory_space<hbm>> -> memref<64x1024xf32, #tpu.memory_space<hbm>>
    %dma_start3A_96 = arith.constant 0 : i32
    %dma_start3A_97 = arith.constant 0 : i32
    %dma_start3A_98 = tpu.memref_slice %arg5[%dma_start3A_96, %dma_start3A_97] : memref<64x1024xf32, #tpu.memory_space<vmem>> -> memref<64x1024xf32, #tpu.memory_space<vmem>>
    %dma_start3A_99 = arith.constant 0 : i32
    %dma_start3A_100 = tpu.memref_slice %arg2[%add3A_90, %dma_start3A_99] : memref<8192x1024xf32, #tpu.memory_space<hbm>> -> memref<64x1024xf32, #tpu.memory_space<hbm>>
    tpu.enqueue_dma source(%dma_start3A_100 : memref<64x1024xf32, #tpu.memory_space<hbm>>) target(%dma_start3A_98 : memref<64x1024xf32, #tpu.memory_space<vmem>>) target_semaphore(%arg7 : memref<!tpu.dma_semaphore, #tpu.memory_space<semaphore_mem>>)
    %dma_wait3A_101 = arith.constant 0 : i32
    %dma_wait3A_102 = arith.constant 0 : i32
    %dma_wait3A_103 = tpu.memref_slice %arg4[%dma_wait3A_101, %dma_wait3A_102] : memref<56x1024xf32, #tpu.memory_space<vmem>> -> memref<56x1024xf32, #tpu.memory_space<vmem>>
    %dma_wait3A_104 = arith.constant 0 : i32
    %dma_wait3A_105 = tpu.memref_slice %arg2[%add3A_52, %dma_wait3A_104] : memref<8192x1024xf32, #tpu.memory_space<hbm>> -> memref<56x1024xf32, #tpu.memory_space<hbm>>
    %dma_wait3A_106 = arith.constant 0 : i32
    %dma_wait3A_107 = arith.constant 0 : i32
    %dma_wait3A_108 = tpu.memref_slice %arg4[%dma_wait3A_106, %dma_wait3A_107] : memref<56x1024xf32, #tpu.memory_space<vmem>> -> memref<56x1024xf32, #tpu.memory_space<vmem>>
    %dma_wait3A_109 = arith.constant 0 : i32
    %dma_wait3A_110 = tpu.memref_slice %arg2[%add3A_52, %dma_wait3A_109] : memref<8192x1024xf32, #tpu.memory_space<hbm>> -> memref<56x1024xf32, #tpu.memory_space<hbm>>
    tpu.wait_dma2 semaphore(%arg6 : memref<!tpu.dma_semaphore, #tpu.memory_space<semaphore_mem>>) src(%dma_wait3A_110 : memref<56x1024xf32, #tpu.memory_space<hbm>>) dst(%dma_wait3A_108 : memref<56x1024xf32, #tpu.memory_space<vmem>>)
    %add3A_111 = arith.constant 0 : i32
    %add3A_112 = arith.addi %add3A_111, %mul3A_2 : i32
    %add3A_113 = arith.constant 80 : i32
    %add3A_114 = arith.addi %add3A_112, %add3A_113 : i32
    "tpu.region"() ({
      %run_scoped3A = tpu.sem_alloc : memref<!tpu.dma_semaphore, #tpu.memory_space<semaphore_mem>>
      %dma_start3A_191 = arith.constant 0 : i32
      %dma_start3A_192 = arith.constant 0 : i32
      %dma_start3A_193 = tpu.memref_slice %arg4[%dma_start3A_191, %dma_start3A_192] : memref<56x1024xf32, #tpu.memory_space<vmem>> -> memref<56x1024xf32, #tpu.memory_space<vmem>>
      %dma_start3A_194 = arith.constant 0 : i32
      %dma_start3A_195 = tpu.memref_slice %arg3[%add3A_114, %dma_start3A_194] : memref<32768x1024xf32, #tpu.memory_space<hbm>> -> memref<56x1024xf32, #tpu.memory_space<hbm>>
      %dma_start3A_196 = arith.constant 0 : i32
      %dma_start3A_197 = tpu.memref_slice %arg3[%add3A_114, %dma_start3A_196] : memref<32768x1024xf32, #tpu.memory_space<hbm>> -> memref<56x1024xf32, #tpu.memory_space<hbm>>
      %dma_start3A_198 = arith.constant 0 : i32
      %dma_start3A_199 = arith.constant 0 : i32
      %dma_start3A_200 = tpu.memref_slice %arg4[%dma_start3A_198, %dma_start3A_199] : memref<56x1024xf32, #tpu.memory_space<vmem>> -> memref<56x1024xf32, #tpu.memory_space<vmem>>
      tpu.enqueue_dma source(%dma_start3A_200 : memref<56x1024xf32, #tpu.memory_space<vmem>>) target(%dma_start3A_197 : memref<56x1024xf32, #tpu.memory_space<hbm>>) target_semaphore(%run_scoped3A : memref<!tpu.dma_semaphore, #tpu.memory_space<semaphore_mem>>)
      %dma_wait3A_201 = arith.constant 0 : i32
      %dma_wait3A_202 = arith.constant 0 : i32
      %dma_wait3A_203 = tpu.memref_slice %arg4[%dma_wait3A_201, %dma_wait3A_202] : memref<56x1024xf32, #tpu.memory_space<vmem>> -> memref<56x1024xf32, #tpu.memory_space<vmem>>
      %dma_wait3A_204 = arith.constant 0 : i32
      %dma_wait3A_205 = tpu.memref_slice %arg3[%add3A_114, %dma_wait3A_204] : memref<32768x1024xf32, #tpu.memory_space<hbm>> -> memref<56x1024xf32, #tpu.memory_space<hbm>>
      %dma_wait3A_206 = arith.constant 0 : i32
      %dma_wait3A_207 = tpu.memref_slice %arg3[%add3A_114, %dma_wait3A_206] : memref<32768x1024xf32, #tpu.memory_space<hbm>> -> memref<56x1024xf32, #tpu.memory_space<hbm>>
      %dma_wait3A_208 = arith.constant 0 : i32
      %dma_wait3A_209 = arith.constant 0 : i32
      %dma_wait3A_210 = tpu.memref_slice %arg4[%dma_wait3A_208, %dma_wait3A_209] : memref<56x1024xf32, #tpu.memory_space<vmem>> -> memref<56x1024xf32, #tpu.memory_space<vmem>>
      tpu.wait_dma2 semaphore(%run_scoped3A : memref<!tpu.dma_semaphore, #tpu.memory_space<semaphore_mem>>) src(%dma_wait3A_210 : memref<56x1024xf32, #tpu.memory_space<vmem>>) dst(%dma_wait3A_207 : memref<56x1024xf32, #tpu.memory_space<hbm>>)
      tpu.yield
    }) : () -> ()
    %add3A_115 = arith.constant 8192 : i32
    %add3A_116 = arith.addi %add3A_115, %mul3A_2 : i32
    %add3A_117 = arith.constant 80 : i32
    %add3A_118 = arith.addi %add3A_116, %add3A_117 : i32
    "tpu.region"() ({
      %run_scoped3A = tpu.sem_alloc : memref<!tpu.dma_semaphore, #tpu.memory_space<semaphore_mem>>
      %dma_start3A_191 = arith.constant 0 : i32
      %dma_start3A_192 = arith.constant 0 : i32
      %dma_start3A_193 = tpu.memref_slice %arg4[%dma_start3A_191, %dma_start3A_192] : memref<56x1024xf32, #tpu.memory_space<vmem>> -> memref<56x1024xf32, #tpu.memory_space<vmem>>
      %dma_start3A_194 = arith.constant 0 : i32
      %dma_start3A_195 = tpu.memref_slice %arg3[%add3A_118, %dma_start3A_194] : memref<32768x1024xf32, #tpu.memory_space<hbm>> -> memref<56x1024xf32, #tpu.memory_space<hbm>>
      %dma_start3A_196 = arith.constant 0 : i32
      %dma_start3A_197 = tpu.memref_slice %arg3[%add3A_118, %dma_start3A_196] : memref<32768x1024xf32, #tpu.memory_space<hbm>> -> memref<56x1024xf32, #tpu.memory_space<hbm>>
      %dma_start3A_198 = arith.constant 0 : i32
      %dma_start3A_199 = arith.constant 0 : i32
      %dma_start3A_200 = tpu.memref_slice %arg4[%dma_start3A_198, %dma_start3A_199] : memref<56x1024xf32, #tpu.memory_space<vmem>> -> memref<56x1024xf32, #tpu.memory_space<vmem>>
      tpu.enqueue_dma source(%dma_start3A_200 : memref<56x1024xf32, #tpu.memory_space<vmem>>) target(%dma_start3A_197 : memref<56x1024xf32, #tpu.memory_space<hbm>>) target_semaphore(%run_scoped3A : memref<!tpu.dma_semaphore, #tpu.memory_space<semaphore_mem>>)
      %dma_wait3A_201 = arith.constant 0 : i32
      %dma_wait3A_202 = arith.constant 0 : i32
      %dma_wait3A_203 = tpu.memref_slice %arg4[%dma_wait3A_201, %dma_wait3A_202] : memref<56x1024xf32, #tpu.memory_space<vmem>> -> memref<56x1024xf32, #tpu.memory_space<vmem>>
      %dma_wait3A_204 = arith.constant 0 : i32
      %dma_wait3A_205 = tpu.memref_slice %arg3[%add3A_118, %dma_wait3A_204] : memref<32768x1024xf32, #tpu.memory_space<hbm>> -> memref<56x1024xf32, #tpu.memory_space<hbm>>
      %dma_wait3A_206 = arith.constant 0 : i32
      %dma_wait3A_207 = tpu.memref_slice %arg3[%add3A_118, %dma_wait3A_206] : memref<32768x1024xf32, #tpu.memory_space<hbm>> -> memref<56x1024xf32, #tpu.memory_space<hbm>>
      %dma_wait3A_208 = arith.constant 0 : i32
      %dma_wait3A_209 = arith.constant 0 : i32
      %dma_wait3A_210 = tpu.memref_slice %arg4[%dma_wait3A_208, %dma_wait3A_209] : memref<56x1024xf32, #tpu.memory_space<vmem>> -> memref<56x1024xf32, #tpu.memory_space<vmem>>
      tpu.wait_dma2 semaphore(%run_scoped3A : memref<!tpu.dma_semaphore, #tpu.memory_space<semaphore_mem>>) src(%dma_wait3A_210 : memref<56x1024xf32, #tpu.memory_space<vmem>>) dst(%dma_wait3A_207 : memref<56x1024xf32, #tpu.memory_space<hbm>>)
      tpu.yield
    }) : () -> ()
    %add3A_119 = arith.constant 16384 : i32
    %add3A_120 = arith.addi %add3A_119, %mul3A_2 : i32
    %add3A_121 = arith.constant 80 : i32
    %add3A_122 = arith.addi %add3A_120, %add3A_121 : i32
    "tpu.region"() ({
      %run_scoped3A = tpu.sem_alloc : memref<!tpu.dma_semaphore, #tpu.memory_space<semaphore_mem>>
      %dma_start3A_191 = arith.constant 0 : i32
      %dma_start3A_192 = arith.constant 0 : i32
      %dma_start3A_193 = tpu.memref_slice %arg4[%dma_start3A_191, %dma_start3A_192] : memref<56x1024xf32, #tpu.memory_space<vmem>> -> memref<56x1024xf32, #tpu.memory_space<vmem>>
      %dma_start3A_194 = arith.constant 0 : i32
      %dma_start3A_195 = tpu.memref_slice %arg3[%add3A_122, %dma_start3A_194] : memref<32768x1024xf32, #tpu.memory_space<hbm>> -> memref<56x1024xf32, #tpu.memory_space<hbm>>
      %dma_start3A_196 = arith.constant 0 : i32
      %dma_start3A_197 = tpu.memref_slice %arg3[%add3A_122, %dma_start3A_196] : memref<32768x1024xf32, #tpu.memory_space<hbm>> -> memref<56x1024xf32, #tpu.memory_space<hbm>>
      %dma_start3A_198 = arith.constant 0 : i32
      %dma_start3A_199 = arith.constant 0 : i32
      %dma_start3A_200 = tpu.memref_slice %arg4[%dma_start3A_198, %dma_start3A_199] : memref<56x1024xf32, #tpu.memory_space<vmem>> -> memref<56x1024xf32, #tpu.memory_space<vmem>>
      tpu.enqueue_dma source(%dma_start3A_200 : memref<56x1024xf32, #tpu.memory_space<vmem>>) target(%dma_start3A_197 : memref<56x1024xf32, #tpu.memory_space<hbm>>) target_semaphore(%run_scoped3A : memref<!tpu.dma_semaphore, #tpu.memory_space<semaphore_mem>>)
      %dma_wait3A_201 = arith.constant 0 : i32
      %dma_wait3A_202 = arith.constant 0 : i32
      %dma_wait3A_203 = tpu.memref_slice %arg4[%dma_wait3A_201, %dma_wait3A_202] : memref<56x1024xf32, #tpu.memory_space<vmem>> -> memref<56x1024xf32, #tpu.memory_space<vmem>>
      %dma_wait3A_204 = arith.constant 0 : i32
      %dma_wait3A_205 = tpu.memref_slice %arg3[%add3A_122, %dma_wait3A_204] : memref<32768x1024xf32, #tpu.memory_space<hbm>> -> memref<56x1024xf32, #tpu.memory_space<hbm>>
      %dma_wait3A_206 = arith.constant 0 : i32
      %dma_wait3A_207 = tpu.memref_slice %arg3[%add3A_122, %dma_wait3A_206] : memref<32768x1024xf32, #tpu.memory_space<hbm>> -> memref<56x1024xf32, #tpu.memory_space<hbm>>
      %dma_wait3A_208 = arith.constant 0 : i32
      %dma_wait3A_209 = arith.constant 0 : i32
      %dma_wait3A_210 = tpu.memref_slice %arg4[%dma_wait3A_208, %dma_wait3A_209] : memref<56x1024xf32, #tpu.memory_space<vmem>> -> memref<56x1024xf32, #tpu.memory_space<vmem>>
      tpu.wait_dma2 semaphore(%run_scoped3A : memref<!tpu.dma_semaphore, #tpu.memory_space<semaphore_mem>>) src(%dma_wait3A_210 : memref<56x1024xf32, #tpu.memory_space<vmem>>) dst(%dma_wait3A_207 : memref<56x1024xf32, #tpu.memory_space<hbm>>)
      tpu.yield
    }) : () -> ()
    %add3A_123 = arith.constant 24576 : i32
    %add3A_124 = arith.addi %add3A_123, %mul3A_2 : i32
    %add3A_125 = arith.constant 80 : i32
    %add3A_126 = arith.addi %add3A_124, %add3A_125 : i32
    "tpu.region"() ({
      %run_scoped3A = tpu.sem_alloc : memref<!tpu.dma_semaphore, #tpu.memory_space<semaphore_mem>>
      %dma_start3A_191 = arith.constant 0 : i32
      %dma_start3A_192 = arith.constant 0 : i32
      %dma_start3A_193 = tpu.memref_slice %arg4[%dma_start3A_191, %dma_start3A_192] : memref<56x1024xf32, #tpu.memory_space<vmem>> -> memref<56x1024xf32, #tpu.memory_space<vmem>>
      %dma_start3A_194 = arith.constant 0 : i32
      %dma_start3A_195 = tpu.memref_slice %arg3[%add3A_126, %dma_start3A_194] : memref<32768x1024xf32, #tpu.memory_space<hbm>> -> memref<56x1024xf32, #tpu.memory_space<hbm>>
      %dma_start3A_196 = arith.constant 0 : i32
      %dma_start3A_197 = tpu.memref_slice %arg3[%add3A_126, %dma_start3A_196] : memref<32768x1024xf32, #tpu.memory_space<hbm>> -> memref<56x1024xf32, #tpu.memory_space<hbm>>
      %dma_start3A_198 = arith.constant 0 : i32
      %dma_start3A_199 = arith.constant 0 : i32
      %dma_start3A_200 = tpu.memref_slice %arg4[%dma_start3A_198, %dma_start3A_199] : memref<56x1024xf32, #tpu.memory_space<vmem>> -> memref<56x1024xf32, #tpu.memory_space<vmem>>
      tpu.enqueue_dma source(%dma_start3A_200 : memref<56x1024xf32, #tpu.memory_space<vmem>>) target(%dma_start3A_197 : memref<56x1024xf32, #tpu.memory_space<hbm>>) target_semaphore(%run_scoped3A : memref<!tpu.dma_semaphore, #tpu.memory_space<semaphore_mem>>)
      %dma_wait3A_201 = arith.constant 0 : i32
      %dma_wait3A_202 = arith.constant 0 : i32
      %dma_wait3A_203 = tpu.memref_slice %arg4[%dma_wait3A_201, %dma_wait3A_202] : memref<56x1024xf32, #tpu.memory_space<vmem>> -> memref<56x1024xf32, #tpu.memory_space<vmem>>
      %dma_wait3A_204 = arith.constant 0 : i32
      %dma_wait3A_205 = tpu.memref_slice %arg3[%add3A_126, %dma_wait3A_204] : memref<32768x1024xf32, #tpu.memory_space<hbm>> -> memref<56x1024xf32, #tpu.memory_space<hbm>>
      %dma_wait3A_206 = arith.constant 0 : i32
      %dma_wait3A_207 = tpu.memref_slice %arg3[%add3A_126, %dma_wait3A_206] : memref<32768x1024xf32, #tpu.memory_space<hbm>> -> memref<56x1024xf32, #tpu.memory_space<hbm>>
      %dma_wait3A_208 = arith.constant 0 : i32
      %dma_wait3A_209 = arith.constant 0 : i32
      %dma_wait3A_210 = tpu.memref_slice %arg4[%dma_wait3A_208, %dma_wait3A_209] : memref<56x1024xf32, #tpu.memory_space<vmem>> -> memref<56x1024xf32, #tpu.memory_space<vmem>>
      tpu.wait_dma2 semaphore(%run_scoped3A : memref<!tpu.dma_semaphore, #tpu.memory_space<semaphore_mem>>) src(%dma_wait3A_210 : memref<56x1024xf32, #tpu.memory_space<vmem>>) dst(%dma_wait3A_207 : memref<56x1024xf32, #tpu.memory_space<hbm>>)
      tpu.yield
    }) : () -> ()
    %add3A_127 = arith.constant 200 : i32
    %add3A_128 = arith.addi %mul3A_2, %add3A_127 : i32
    %dma_start3A_129 = arith.constant 0 : i32
    %dma_start3A_130 = arith.constant 0 : i32
    %dma_start3A_131 = tpu.memref_slice %arg4[%dma_start3A_129, %dma_start3A_130] : memref<56x1024xf32, #tpu.memory_space<vmem>> -> memref<56x1024xf32, #tpu.memory_space<vmem>>
    %dma_start3A_132 = arith.constant 0 : i32
    %dma_start3A_133 = tpu.memref_slice %arg2[%add3A_128, %dma_start3A_132] : memref<8192x1024xf32, #tpu.memory_space<hbm>> -> memref<56x1024xf32, #tpu.memory_space<hbm>>
    %dma_start3A_134 = arith.constant 0 : i32
    %dma_start3A_135 = arith.constant 0 : i32
    %dma_start3A_136 = tpu.memref_slice %arg4[%dma_start3A_134, %dma_start3A_135] : memref<56x1024xf32, #tpu.memory_space<vmem>> -> memref<56x1024xf32, #tpu.memory_space<vmem>>
    %dma_start3A_137 = arith.constant 0 : i32
    %dma_start3A_138 = tpu.memref_slice %arg2[%add3A_128, %dma_start3A_137] : memref<8192x1024xf32, #tpu.memory_space<hbm>> -> memref<56x1024xf32, #tpu.memory_space<hbm>>
    tpu.enqueue_dma source(%dma_start3A_138 : memref<56x1024xf32, #tpu.memory_space<hbm>>) target(%dma_start3A_136 : memref<56x1024xf32, #tpu.memory_space<vmem>>) target_semaphore(%arg6 : memref<!tpu.dma_semaphore, #tpu.memory_space<semaphore_mem>>)
    %dma_wait3A_139 = arith.constant 0 : i32
    %dma_wait3A_140 = arith.constant 0 : i32
    %dma_wait3A_141 = tpu.memref_slice %arg5[%dma_wait3A_139, %dma_wait3A_140] : memref<64x1024xf32, #tpu.memory_space<vmem>> -> memref<64x1024xf32, #tpu.memory_space<vmem>>
    %dma_wait3A_142 = arith.constant 0 : i32
    %dma_wait3A_143 = tpu.memref_slice %arg2[%add3A_90, %dma_wait3A_142] : memref<8192x1024xf32, #tpu.memory_space<hbm>> -> memref<64x1024xf32, #tpu.memory_space<hbm>>
    %dma_wait3A_144 = arith.constant 0 : i32
    %dma_wait3A_145 = arith.constant 0 : i32
    %dma_wait3A_146 = tpu.memref_slice %arg5[%dma_wait3A_144, %dma_wait3A_145] : memref<64x1024xf32, #tpu.memory_space<vmem>> -> memref<64x1024xf32, #tpu.memory_space<vmem>>
    %dma_wait3A_147 = arith.constant 0 : i32
    %dma_wait3A_148 = tpu.memref_slice %arg2[%add3A_90, %dma_wait3A_147] : memref<8192x1024xf32, #tpu.memory_space<hbm>> -> memref<64x1024xf32, #tpu.memory_space<hbm>>
    tpu.wait_dma2 semaphore(%arg7 : memref<!tpu.dma_semaphore, #tpu.memory_space<semaphore_mem>>) src(%dma_wait3A_148 : memref<64x1024xf32, #tpu.memory_space<hbm>>) dst(%dma_wait3A_146 : memref<64x1024xf32, #tpu.memory_space<vmem>>)
    %add3A_149 = arith.constant 0 : i32
    %add3A_150 = arith.addi %add3A_149, %mul3A_2 : i32
    %add3A_151 = arith.constant 136 : i32
    %add3A_152 = arith.addi %add3A_150, %add3A_151 : i32
    "tpu.region"() ({
      %run_scoped3A = tpu.sem_alloc : memref<!tpu.dma_semaphore, #tpu.memory_space<semaphore_mem>>
      %dma_start3A_191 = arith.constant 0 : i32
      %dma_start3A_192 = arith.constant 0 : i32
      %dma_start3A_193 = tpu.memref_slice %arg5[%dma_start3A_191, %dma_start3A_192] : memref<64x1024xf32, #tpu.memory_space<vmem>> -> memref<64x1024xf32, #tpu.memory_space<vmem>>
      %dma_start3A_194 = arith.constant 0 : i32
      %dma_start3A_195 = tpu.memref_slice %arg3[%add3A_152, %dma_start3A_194] : memref<32768x1024xf32, #tpu.memory_space<hbm>> -> memref<64x1024xf32, #tpu.memory_space<hbm>>
      %dma_start3A_196 = arith.constant 0 : i32
      %dma_start3A_197 = tpu.memref_slice %arg3[%add3A_152, %dma_start3A_196] : memref<32768x1024xf32, #tpu.memory_space<hbm>> -> memref<64x1024xf32, #tpu.memory_space<hbm>>
      %dma_start3A_198 = arith.constant 0 : i32
      %dma_start3A_199 = arith.constant 0 : i32
      %dma_start3A_200 = tpu.memref_slice %arg5[%dma_start3A_198, %dma_start3A_199] : memref<64x1024xf32, #tpu.memory_space<vmem>> -> memref<64x1024xf32, #tpu.memory_space<vmem>>
      tpu.enqueue_dma source(%dma_start3A_200 : memref<64x1024xf32, #tpu.memory_space<vmem>>) target(%dma_start3A_197 : memref<64x1024xf32, #tpu.memory_space<hbm>>) target_semaphore(%run_scoped3A : memref<!tpu.dma_semaphore, #tpu.memory_space<semaphore_mem>>)
      %dma_wait3A_201 = arith.constant 0 : i32
      %dma_wait3A_202 = arith.constant 0 : i32
      %dma_wait3A_203 = tpu.memref_slice %arg5[%dma_wait3A_201, %dma_wait3A_202] : memref<64x1024xf32, #tpu.memory_space<vmem>> -> memref<64x1024xf32, #tpu.memory_space<vmem>>
      %dma_wait3A_204 = arith.constant 0 : i32
      %dma_wait3A_205 = tpu.memref_slice %arg3[%add3A_152, %dma_wait3A_204] : memref<32768x1024xf32, #tpu.memory_space<hbm>> -> memref<64x1024xf32, #tpu.memory_space<hbm>>
      %dma_wait3A_206 = arith.constant 0 : i32
      %dma_wait3A_207 = tpu.memref_slice %arg3[%add3A_152, %dma_wait3A_206] : memref<32768x1024xf32, #tpu.memory_space<hbm>> -> memref<64x1024xf32, #tpu.memory_space<hbm>>
      %dma_wait3A_208 = arith.constant 0 : i32
      %dma_wait3A_209 = arith.constant 0 : i32
      %dma_wait3A_210 = tpu.memref_slice %arg5[%dma_wait3A_208, %dma_wait3A_209] : memref<64x1024xf32, #tpu.memory_space<vmem>> -> memref<64x1024xf32, #tpu.memory_space<vmem>>
      tpu.wait_dma2 semaphore(%run_scoped3A : memref<!tpu.dma_semaphore, #tpu.memory_space<semaphore_mem>>) src(%dma_wait3A_210 : memref<64x1024xf32, #tpu.memory_space<vmem>>) dst(%dma_wait3A_207 : memref<64x1024xf32, #tpu.memory_space<hbm>>)
      tpu.yield
    }) : () -> ()
    %add3A_153 = arith.constant 8192 : i32
    %add3A_154 = arith.addi %add3A_153, %mul3A_2 : i32
    %add3A_155 = arith.constant 136 : i32
    %add3A_156 = arith.addi %add3A_154, %add3A_155 : i32
    "tpu.region"() ({
      %run_scoped3A = tpu.sem_alloc : memref<!tpu.dma_semaphore, #tpu.memory_space<semaphore_mem>>
      %dma_start3A_191 = arith.constant 0 : i32
      %dma_start3A_192 = arith.constant 0 : i32
      %dma_start3A_193 = tpu.memref_slice %arg5[%dma_start3A_191, %dma_start3A_192] : memref<64x1024xf32, #tpu.memory_space<vmem>> -> memref<64x1024xf32, #tpu.memory_space<vmem>>
      %dma_start3A_194 = arith.constant 0 : i32
      %dma_start3A_195 = tpu.memref_slice %arg3[%add3A_156, %dma_start3A_194] : memref<32768x1024xf32, #tpu.memory_space<hbm>> -> memref<64x1024xf32, #tpu.memory_space<hbm>>
      %dma_start3A_196 = arith.constant 0 : i32
      %dma_start3A_197 = tpu.memref_slice %arg3[%add3A_156, %dma_start3A_196] : memref<32768x1024xf32, #tpu.memory_space<hbm>> -> memref<64x1024xf32, #tpu.memory_space<hbm>>
      %dma_start3A_198 = arith.constant 0 : i32
      %dma_start3A_199 = arith.constant 0 : i32
      %dma_start3A_200 = tpu.memref_slice %arg5[%dma_start3A_198, %dma_start3A_199] : memref<64x1024xf32, #tpu.memory_space<vmem>> -> memref<64x1024xf32, #tpu.memory_space<vmem>>
      tpu.enqueue_dma source(%dma_start3A_200 : memref<64x1024xf32, #tpu.memory_space<vmem>>) target(%dma_start3A_197 : memref<64x1024xf32, #tpu.memory_space<hbm>>) target_semaphore(%run_scoped3A : memref<!tpu.dma_semaphore, #tpu.memory_space<semaphore_mem>>)
      %dma_wait3A_201 = arith.constant 0 : i32
      %dma_wait3A_202 = arith.constant 0 : i32
      %dma_wait3A_203 = tpu.memref_slice %arg5[%dma_wait3A_201, %dma_wait3A_202] : memref<64x1024xf32, #tpu.memory_space<vmem>> -> memref<64x1024xf32, #tpu.memory_space<vmem>>
      %dma_wait3A_204 = arith.constant 0 : i32
      %dma_wait3A_205 = tpu.memref_slice %arg3[%add3A_156, %dma_wait3A_204] : memref<32768x1024xf32, #tpu.memory_space<hbm>> -> memref<64x1024xf32, #tpu.memory_space<hbm>>
      %dma_wait3A_206 = arith.constant 0 : i32
      %dma_wait3A_207 = tpu.memref_slice %arg3[%add3A_156, %dma_wait3A_206] : memref<32768x1024xf32, #tpu.memory_space<hbm>> -> memref<64x1024xf32, #tpu.memory_space<hbm>>
      %dma_wait3A_208 = arith.constant 0 : i32
      %dma_wait3A_209 = arith.constant 0 : i32
      %dma_wait3A_210 = tpu.memref_slice %arg5[%dma_wait3A_208, %dma_wait3A_209] : memref<64x1024xf32, #tpu.memory_space<vmem>> -> memref<64x1024xf32, #tpu.memory_space<vmem>>
      tpu.wait_dma2 semaphore(%run_scoped3A : memref<!tpu.dma_semaphore, #tpu.memory_space<semaphore_mem>>) src(%dma_wait3A_210 : memref<64x1024xf32, #tpu.memory_space<vmem>>) dst(%dma_wait3A_207 : memref<64x1024xf32, #tpu.memory_space<hbm>>)
      tpu.yield
    }) : () -> ()
    %add3A_157 = arith.constant 16384 : i32
    %add3A_158 = arith.addi %add3A_157, %mul3A_2 : i32
    %add3A_159 = arith.constant 136 : i32
    %add3A_160 = arith.addi %add3A_158, %add3A_159 : i32
    "tpu.region"() ({
      %run_scoped3A = tpu.sem_alloc : memref<!tpu.dma_semaphore, #tpu.memory_space<semaphore_mem>>
      %dma_start3A_191 = arith.constant 0 : i32
      %dma_start3A_192 = arith.constant 0 : i32
      %dma_start3A_193 = tpu.memref_slice %arg5[%dma_start3A_191, %dma_start3A_192] : memref<64x1024xf32, #tpu.memory_space<vmem>> -> memref<64x1024xf32, #tpu.memory_space<vmem>>
      %dma_start3A_194 = arith.constant 0 : i32
      %dma_start3A_195 = tpu.memref_slice %arg3[%add3A_160, %dma_start3A_194] : memref<32768x1024xf32, #tpu.memory_space<hbm>> -> memref<64x1024xf32, #tpu.memory_space<hbm>>
      %dma_start3A_196 = arith.constant 0 : i32
      %dma_start3A_197 = tpu.memref_slice %arg3[%add3A_160, %dma_start3A_196] : memref<32768x1024xf32, #tpu.memory_space<hbm>> -> memref<64x1024xf32, #tpu.memory_space<hbm>>
      %dma_start3A_198 = arith.constant 0 : i32
      %dma_start3A_199 = arith.constant 0 : i32
      %dma_start3A_200 = tpu.memref_slice %arg5[%dma_start3A_198, %dma_start3A_199] : memref<64x1024xf32, #tpu.memory_space<vmem>> -> memref<64x1024xf32, #tpu.memory_space<vmem>>
      tpu.enqueue_dma source(%dma_start3A_200 : memref<64x1024xf32, #tpu.memory_space<vmem>>) target(%dma_start3A_197 : memref<64x1024xf32, #tpu.memory_space<hbm>>) target_semaphore(%run_scoped3A : memref<!tpu.dma_semaphore, #tpu.memory_space<semaphore_mem>>)
      %dma_wait3A_201 = arith.constant 0 : i32
      %dma_wait3A_202 = arith.constant 0 : i32
      %dma_wait3A_203 = tpu.memref_slice %arg5[%dma_wait3A_201, %dma_wait3A_202] : memref<64x1024xf32, #tpu.memory_space<vmem>> -> memref<64x1024xf32, #tpu.memory_space<vmem>>
      %dma_wait3A_204 = arith.constant 0 : i32
      %dma_wait3A_205 = tpu.memref_slice %arg3[%add3A_160, %dma_wait3A_204] : memref<32768x1024xf32, #tpu.memory_space<hbm>> -> memref<64x1024xf32, #tpu.memory_space<hbm>>
      %dma_wait3A_206 = arith.constant 0 : i32
      %dma_wait3A_207 = tpu.memref_slice %arg3[%add3A_160, %dma_wait3A_206] : memref<32768x1024xf32, #tpu.memory_space<hbm>> -> memref<64x1024xf32, #tpu.memory_space<hbm>>
      %dma_wait3A_208 = arith.constant 0 : i32
      %dma_wait3A_209 = arith.constant 0 : i32
      %dma_wait3A_210 = tpu.memref_slice %arg5[%dma_wait3A_208, %dma_wait3A_209] : memref<64x1024xf32, #tpu.memory_space<vmem>> -> memref<64x1024xf32, #tpu.memory_space<vmem>>
      tpu.wait_dma2 semaphore(%run_scoped3A : memref<!tpu.dma_semaphore, #tpu.memory_space<semaphore_mem>>) src(%dma_wait3A_210 : memref<64x1024xf32, #tpu.memory_space<vmem>>) dst(%dma_wait3A_207 : memref<64x1024xf32, #tpu.memory_space<hbm>>)
      tpu.yield
    }) : () -> ()
    %add3A_161 = arith.constant 24576 : i32
    %add3A_162 = arith.addi %add3A_161, %mul3A_2 : i32
    %add3A_163 = arith.constant 136 : i32
    %add3A_164 = arith.addi %add3A_162, %add3A_163 : i32
    "tpu.region"() ({
      %run_scoped3A = tpu.sem_alloc : memref<!tpu.dma_semaphore, #tpu.memory_space<semaphore_mem>>
      %dma_start3A_191 = arith.constant 0 : i32
      %dma_start3A_192 = arith.constant 0 : i32
      %dma_start3A_193 = tpu.memref_slice %arg5[%dma_start3A_191, %dma_start3A_192] : memref<64x1024xf32, #tpu.memory_space<vmem>> -> memref<64x1024xf32, #tpu.memory_space<vmem>>
      %dma_start3A_194 = arith.constant 0 : i32
      %dma_start3A_195 = tpu.memref_slice %arg3[%add3A_164, %dma_start3A_194] : memref<32768x1024xf32, #tpu.memory_space<hbm>> -> memref<64x1024xf32, #tpu.memory_space<hbm>>
      %dma_start3A_196 = arith.constant 0 : i32
      %dma_start3A_197 = tpu.memref_slice %arg3[%add3A_164, %dma_start3A_196] : memref<32768x1024xf32, #tpu.memory_space<hbm>> -> memref<64x1024xf32, #tpu.memory_space<hbm>>
      %dma_start3A_198 = arith.constant 0 : i32
      %dma_start3A_199 = arith.constant 0 : i32
      %dma_start3A_200 = tpu.memref_slice %arg5[%dma_start3A_198, %dma_start3A_199] : memref<64x1024xf32, #tpu.memory_space<vmem>> -> memref<64x1024xf32, #tpu.memory_space<vmem>>
      tpu.enqueue_dma source(%dma_start3A_200 : memref<64x1024xf32, #tpu.memory_space<vmem>>) target(%dma_start3A_197 : memref<64x1024xf32, #tpu.memory_space<hbm>>) target_semaphore(%run_scoped3A : memref<!tpu.dma_semaphore, #tpu.memory_space<semaphore_mem>>)
      %dma_wait3A_201 = arith.constant 0 : i32
      %dma_wait3A_202 = arith.constant 0 : i32
      %dma_wait3A_203 = tpu.memref_slice %arg5[%dma_wait3A_201, %dma_wait3A_202] : memref<64x1024xf32, #tpu.memory_space<vmem>> -> memref<64x1024xf32, #tpu.memory_space<vmem>>
      %dma_wait3A_204 = arith.constant 0 : i32
      %dma_wait3A_205 = tpu.memref_slice %arg3[%add3A_164, %dma_wait3A_204] : memref<32768x1024xf32, #tpu.memory_space<hbm>> -> memref<64x1024xf32, #tpu.memory_space<hbm>>
      %dma_wait3A_206 = arith.constant 0 : i32
      %dma_wait3A_207 = tpu.memref_slice %arg3[%add3A_164, %dma_wait3A_206] : memref<32768x1024xf32, #tpu.memory_space<hbm>> -> memref<64x1024xf32, #tpu.memory_space<hbm>>
      %dma_wait3A_208 = arith.constant 0 : i32
      %dma_wait3A_209 = arith.constant 0 : i32
      %dma_wait3A_210 = tpu.memref_slice %arg5[%dma_wait3A_208, %dma_wait3A_209] : memref<64x1024xf32, #tpu.memory_space<vmem>> -> memref<64x1024xf32, #tpu.memory_space<vmem>>
      tpu.wait_dma2 semaphore(%run_scoped3A : memref<!tpu.dma_semaphore, #tpu.memory_space<semaphore_mem>>) src(%dma_wait3A_210 : memref<64x1024xf32, #tpu.memory_space<vmem>>) dst(%dma_wait3A_207 : memref<64x1024xf32, #tpu.memory_space<hbm>>)
      tpu.yield
    }) : () -> ()
    %dma_wait3A_165 = arith.constant 0 : i32
    %dma_wait3A_166 = arith.constant 0 : i32
    %dma_wait3A_167 = tpu.memref_slice %arg4[%dma_wait3A_165, %dma_wait3A_166] : memref<56x1024xf32, #tpu.memory_space<vmem>> -> memref<56x1024xf32, #tpu.memory_space<vmem>>
    %dma_wait3A_168 = arith.constant 0 : i32
    %dma_wait3A_169 = tpu.memref_slice %arg2[%add3A_128, %dma_wait3A_168] : memref<8192x1024xf32, #tpu.memory_space<hbm>> -> memref<56x1024xf32, #tpu.memory_space<hbm>>
    %dma_wait3A_170 = arith.constant 0 : i32
    %dma_wait3A_171 = arith.constant 0 : i32
    %dma_wait3A_172 = tpu.memref_slice %arg4[%dma_wait3A_170, %dma_wait3A_171] : memref<56x1024xf32, #tpu.memory_space<vmem>> -> memref<56x1024xf32, #tpu.memory_space<vmem>>
    %dma_wait3A_173 = arith.constant 0 : i32
    %dma_wait3A_174 = tpu.memref_slice %arg2[%add3A_128, %dma_wait3A_173] : memref<8192x1024xf32, #tpu.memory_space<hbm>> -> memref<56x1024xf32, #tpu.memory_space<hbm>>
    tpu.wait_dma2 semaphore(%arg6 : memref<!tpu.dma_semaphore, #tpu.memory_space<semaphore_mem>>) src(%dma_wait3A_174 : memref<56x1024xf32, #tpu.memory_space<hbm>>) dst(%dma_wait3A_172 : memref<56x1024xf32, #tpu.memory_space<vmem>>)
    %add3A_175 = arith.constant 0 : i32
    %add3A_176 = arith.addi %add3A_175, %mul3A_2 : i32
    %add3A_177 = arith.constant 200 : i32
    %add3A_178 = arith.addi %add3A_176, %add3A_177 : i32
    "tpu.region"() ({
      %run_scoped3A = tpu.sem_alloc : memref<!tpu.dma_semaphore, #tpu.memory_space<semaphore_mem>>
      %dma_start3A_191 = arith.constant 0 : i32
      %dma_start3A_192 = arith.constant 0 : i32
      %dma_start3A_193 = tpu.memref_slice %arg4[%dma_start3A_191, %dma_start3A_192] : memref<56x1024xf32, #tpu.memory_space<vmem>> -> memref<56x1024xf32, #tpu.memory_space<vmem>>
      %dma_start3A_194 = arith.constant 0 : i32
      %dma_start3A_195 = tpu.memref_slice %arg3[%add3A_178, %dma_start3A_194] : memref<32768x1024xf32, #tpu.memory_space<hbm>> -> memref<56x1024xf32, #tpu.memory_space<hbm>>
      %dma_start3A_196 = arith.constant 0 : i32
      %dma_start3A_197 = tpu.memref_slice %arg3[%add3A_178, %dma_start3A_196] : memref<32768x1024xf32, #tpu.memory_space<hbm>> -> memref<56x1024xf32, #tpu.memory_space<hbm>>
      %dma_start3A_198 = arith.constant 0 : i32
      %dma_start3A_199 = arith.constant 0 : i32
      %dma_start3A_200 = tpu.memref_slice %arg4[%dma_start3A_198, %dma_start3A_199] : memref<56x1024xf32, #tpu.memory_space<vmem>> -> memref<56x1024xf32, #tpu.memory_space<vmem>>
      tpu.enqueue_dma source(%dma_start3A_200 : memref<56x1024xf32, #tpu.memory_space<vmem>>) target(%dma_start3A_197 : memref<56x1024xf32, #tpu.memory_space<hbm>>) target_semaphore(%run_scoped3A : memref<!tpu.dma_semaphore, #tpu.memory_space<semaphore_mem>>)
      %dma_wait3A_201 = arith.constant 0 : i32
      %dma_wait3A_202 = arith.constant 0 : i32
      %dma_wait3A_203 = tpu.memref_slice %arg4[%dma_wait3A_201, %dma_wait3A_202] : memref<56x1024xf32, #tpu.memory_space<vmem>> -> memref<56x1024xf32, #tpu.memory_space<vmem>>
      %dma_wait3A_204 = arith.constant 0 : i32
      %dma_wait3A_205 = tpu.memref_slice %arg3[%add3A_178, %dma_wait3A_204] : memref<32768x1024xf32, #tpu.memory_space<hbm>> -> memref<56x1024xf32, #tpu.memory_space<hbm>>
      %dma_wait3A_206 = arith.constant 0 : i32
      %dma_wait3A_207 = tpu.memref_slice %arg3[%add3A_178, %dma_wait3A_206] : memref<32768x1024xf32, #tpu.memory_space<hbm>> -> memref<56x1024xf32, #tpu.memory_space<hbm>>
      %dma_wait3A_208 = arith.constant 0 : i32
      %dma_wait3A_209 = arith.constant 0 : i32
      %dma_wait3A_210 = tpu.memref_slice %arg4[%dma_wait3A_208, %dma_wait3A_209] : memref<56x1024xf32, #tpu.memory_space<vmem>> -> memref<56x1024xf32, #tpu.memory_space<vmem>>
      tpu.wait_dma2 semaphore(%run_scoped3A : memref<!tpu.dma_semaphore, #tpu.memory_space<semaphore_mem>>) src(%dma_wait3A_210 : memref<56x1024xf32, #tpu.memory_space<vmem>>) dst(%dma_wait3A_207 : memref<56x1024xf32, #tpu.memory_space<hbm>>)
      tpu.yield
    }) : () -> ()
    %add3A_179 = arith.constant 8192 : i32
    %add3A_180 = arith.addi %add3A_179, %mul3A_2 : i32
    %add3A_181 = arith.constant 200 : i32
    %add3A_182 = arith.addi %add3A_180, %add3A_181 : i32
    "tpu.region"() ({
      %run_scoped3A = tpu.sem_alloc : memref<!tpu.dma_semaphore, #tpu.memory_space<semaphore_mem>>
      %dma_start3A_191 = arith.constant 0 : i32
      %dma_start3A_192 = arith.constant 0 : i32
      %dma_start3A_193 = tpu.memref_slice %arg4[%dma_start3A_191, %dma_start3A_192] : memref<56x1024xf32, #tpu.memory_space<vmem>> -> memref<56x1024xf32, #tpu.memory_space<vmem>>
      %dma_start3A_194 = arith.constant 0 : i32
      %dma_start3A_195 = tpu.memref_slice %arg3[%add3A_182, %dma_start3A_194] : memref<32768x1024xf32, #tpu.memory_space<hbm>> -> memref<56x1024xf32, #tpu.memory_space<hbm>>
      %dma_start3A_196 = arith.constant 0 : i32
      %dma_start3A_197 = tpu.memref_slice %arg3[%add3A_182, %dma_start3A_196] : memref<32768x1024xf32, #tpu.memory_space<hbm>> -> memref<56x1024xf32, #tpu.memory_space<hbm>>
      %dma_start3A_198 = arith.constant 0 : i32
      %dma_start3A_199 = arith.constant 0 : i32
      %dma_start3A_200 = tpu.memref_slice %arg4[%dma_start3A_198, %dma_start3A_199] : memref<56x1024xf32, #tpu.memory_space<vmem>> -> memref<56x1024xf32, #tpu.memory_space<vmem>>
      tpu.enqueue_dma source(%dma_start3A_200 : memref<56x1024xf32, #tpu.memory_space<vmem>>) target(%dma_start3A_197 : memref<56x1024xf32, #tpu.memory_space<hbm>>) target_semaphore(%run_scoped3A : memref<!tpu.dma_semaphore, #tpu.memory_space<semaphore_mem>>)
      %dma_wait3A_201 = arith.constant 0 : i32
      %dma_wait3A_202 = arith.constant 0 : i32
      %dma_wait3A_203 = tpu.memref_slice %arg4[%dma_wait3A_201, %dma_wait3A_202] : memref<56x1024xf32, #tpu.memory_space<vmem>> -> memref<56x1024xf32, #tpu.memory_space<vmem>>
      %dma_wait3A_204 = arith.constant 0 : i32
      %dma_wait3A_205 = tpu.memref_slice %arg3[%add3A_182, %dma_wait3A_204] : memref<32768x1024xf32, #tpu.memory_space<hbm>> -> memref<56x1024xf32, #tpu.memory_space<hbm>>
      %dma_wait3A_206 = arith.constant 0 : i32
      %dma_wait3A_207 = tpu.memref_slice %arg3[%add3A_182, %dma_wait3A_206] : memref<32768x1024xf32, #tpu.memory_space<hbm>> -> memref<56x1024xf32, #tpu.memory_space<hbm>>
      %dma_wait3A_208 = arith.constant 0 : i32
      %dma_wait3A_209 = arith.constant 0 : i32
      %dma_wait3A_210 = tpu.memref_slice %arg4[%dma_wait3A_208, %dma_wait3A_209] : memref<56x1024xf32, #tpu.memory_space<vmem>> -> memref<56x1024xf32, #tpu.memory_space<vmem>>
      tpu.wait_dma2 semaphore(%run_scoped3A : memref<!tpu.dma_semaphore, #tpu.memory_space<semaphore_mem>>) src(%dma_wait3A_210 : memref<56x1024xf32, #tpu.memory_space<vmem>>) dst(%dma_wait3A_207 : memref<56x1024xf32, #tpu.memory_space<hbm>>)
      tpu.yield
    }) : () -> ()
    %add3A_183 = arith.constant 16384 : i32
    %add3A_184 = arith.addi %add3A_183, %mul3A_2 : i32
    %add3A_185 = arith.constant 200 : i32
    %add3A_186 = arith.addi %add3A_184, %add3A_185 : i32
    "tpu.region"() ({
      %run_scoped3A = tpu.sem_alloc : memref<!tpu.dma_semaphore, #tpu.memory_space<semaphore_mem>>
      %dma_start3A_191 = arith.constant 0 : i32
      %dma_start3A_192 = arith.constant 0 : i32
      %dma_start3A_193 = tpu.memref_slice %arg4[%dma_start3A_191, %dma_start3A_192] : memref<56x1024xf32, #tpu.memory_space<vmem>> -> memref<56x1024xf32, #tpu.memory_space<vmem>>
      %dma_start3A_194 = arith.constant 0 : i32
      %dma_start3A_195 = tpu.memref_slice %arg3[%add3A_186, %dma_start3A_194] : memref<32768x1024xf32, #tpu.memory_space<hbm>> -> memref<56x1024xf32, #tpu.memory_space<hbm>>
      %dma_start3A_196 = arith.constant 0 : i32
      %dma_start3A_197 = tpu.memref_slice %arg3[%add3A_186, %dma_start3A_196] : memref<32768x1024xf32, #tpu.memory_space<hbm>> -> memref<56x1024xf32, #tpu.memory_space<hbm>>
      %dma_start3A_198 = arith.constant 0 : i32
      %dma_start3A_199 = arith.constant 0 : i32
      %dma_start3A_200 = tpu.memref_slice %arg4[%dma_start3A_198, %dma_start3A_199] : memref<56x1024xf32, #tpu.memory_space<vmem>> -> memref<56x1024xf32, #tpu.memory_space<vmem>>
      tpu.enqueue_dma source(%dma_start3A_200 : memref<56x1024xf32, #tpu.memory_space<vmem>>) target(%dma_start3A_197 : memref<56x1024xf32, #tpu.memory_space<hbm>>) target_semaphore(%run_scoped3A : memref<!tpu.dma_semaphore, #tpu.memory_space<semaphore_mem>>)
      %dma_wait3A_201 = arith.constant 0 : i32
      %dma_wait3A_202 = arith.constant 0 : i32
      %dma_wait3A_203 = tpu.memref_slice %arg4[%dma_wait3A_201, %dma_wait3A_202] : memref<56x1024xf32, #tpu.memory_space<vmem>> -> memref<56x1024xf32, #tpu.memory_space<vmem>>
      %dma_wait3A_204 = arith.constant 0 : i32
      %dma_wait3A_205 = tpu.memref_slice %arg3[%add3A_186, %dma_wait3A_204] : memref<32768x1024xf32, #tpu.memory_space<hbm>> -> memref<56x1024xf32, #tpu.memory_space<hbm>>
      %dma_wait3A_206 = arith.constant 0 : i32
      %dma_wait3A_207 = tpu.memref_slice %arg3[%add3A_186, %dma_wait3A_206] : memref<32768x1024xf32, #tpu.memory_space<hbm>> -> memref<56x1024xf32, #tpu.memory_space<hbm>>
      %dma_wait3A_208 = arith.constant 0 : i32
      %dma_wait3A_209 = arith.constant 0 : i32
      %dma_wait3A_210 = tpu.memref_slice %arg4[%dma_wait3A_208, %dma_wait3A_209] : memref<56x1024xf32, #tpu.memory_space<vmem>> -> memref<56x1024xf32, #tpu.memory_space<vmem>>
      tpu.wait_dma2 semaphore(%run_scoped3A : memref<!tpu.dma_semaphore, #tpu.memory_space<semaphore_mem>>) src(%dma_wait3A_210 : memref<56x1024xf32, #tpu.memory_space<vmem>>) dst(%dma_wait3A_207 : memref<56x1024xf32, #tpu.memory_space<hbm>>)
      tpu.yield
    }) : () -> ()
    %add3A_187 = arith.constant 24576 : i32
    %add3A_188 = arith.addi %add3A_187, %mul3A_2 : i32
    %add3A_189 = arith.constant 200 : i32
    %add3A_190 = arith.addi %add3A_188, %add3A_189 : i32
    "tpu.region"() ({
      %run_scoped3A = tpu.sem_alloc : memref<!tpu.dma_semaphore, #tpu.memory_space<semaphore_mem>>
      %dma_start3A_191 = arith.constant 0 : i32
      %dma_start3A_192 = arith.constant 0 : i32
      %dma_start3A_193 = tpu.memref_slice %arg4[%dma_start3A_191, %dma_start3A_192] : memref<56x1024xf32, #tpu.memory_space<vmem>> -> memref<56x1024xf32, #tpu.memory_space<vmem>>
      %dma_start3A_194 = arith.constant 0 : i32
      %dma_start3A_195 = tpu.memref_slice %arg3[%add3A_190, %dma_start3A_194] : memref<32768x1024xf32, #tpu.memory_space<hbm>> -> memref<56x1024xf32, #tpu.memory_space<hbm>>
      %dma_start3A_196 = arith.constant 0 : i32
      %dma_start3A_197 = tpu.memref_slice %arg3[%add3A_190, %dma_start3A_196] : memref<32768x1024xf32, #tpu.memory_space<hbm>> -> memref<56x1024xf32, #tpu.memory_space<hbm>>
      %dma_start3A_198 = arith.constant 0 : i32
      %dma_start3A_199 = arith.constant 0 : i32
      %dma_start3A_200 = tpu.memref_slice %arg4[%dma_start3A_198, %dma_start3A_199] : memref<56x1024xf32, #tpu.memory_space<vmem>> -> memref<56x1024xf32, #tpu.memory_space<vmem>>
      tpu.enqueue_dma source(%dma_start3A_200 : memref<56x1024xf32, #tpu.memory_space<vmem>>) target(%dma_start3A_197 : memref<56x1024xf32, #tpu.memory_space<hbm>>) target_semaphore(%run_scoped3A : memref<!tpu.dma_semaphore, #tpu.memory_space<semaphore_mem>>)
      %dma_wait3A_201 = arith.constant 0 : i32
      %dma_wait3A_202 = arith.constant 0 : i32
      %dma_wait3A_203 = tpu.memref_slice %arg4[%dma_wait3A_201, %dma_wait3A_202] : memref<56x1024xf32, #tpu.memory_space<vmem>> -> memref<56x1024xf32, #tpu.memory_space<vmem>>
      %dma_wait3A_204 = arith.constant 0 : i32
      %dma_wait3A_205 = tpu.memref_slice %arg3[%add3A_190, %dma_wait3A_204] : memref<32768x1024xf32, #tpu.memory_space<hbm>> -> memref<56x1024xf32, #tpu.memory_space<hbm>>
      %dma_wait3A_206 = arith.constant 0 : i32
      %dma_wait3A_207 = tpu.memref_slice %arg3[%add3A_190, %dma_wait3A_206] : memref<32768x1024xf32, #tpu.memory_space<hbm>> -> memref<56x1024xf32, #tpu.memory_space<hbm>>
      %dma_wait3A_208 = arith.constant 0 : i32
      %dma_wait3A_209 = arith.constant 0 : i32
      %dma_wait3A_210 = tpu.memref_slice %arg4[%dma_wait3A_208, %dma_wait3A_209] : memref<56x1024xf32, #tpu.memory_space<vmem>> -> memref<56x1024xf32, #tpu.memory_space<vmem>>
      tpu.wait_dma2 semaphore(%run_scoped3A : memref<!tpu.dma_semaphore, #tpu.memory_space<semaphore_mem>>) src(%dma_wait3A_210 : memref<56x1024xf32, #tpu.memory_space<vmem>>) dst(%dma_wait3A_207 : memref<56x1024xf32, #tpu.memory_space<hbm>>)
      tpu.yield
    }) : () -> ()
    return
  }
}

</mosaic_0001>

<sc_bundles>
// kernel: kernel.3.cloned.1.call-start
scs
__scs_entry_jumppad:
0x0: {  	(pc) =	sbr.rel $0x88, $3  }
0x1: {  	(tag) =	ssettag $0x0;
	lr =	simm.s32 $0x1  }
0x2: {  	[smem:$0x3FA0] =	sst lr;
	_ =	strace $0xD0000000  }
0x3: {  	_ = 	snop  }
0x4: {  	_ = 	snop  }
0x5: {  	_ = 	snop  }
0x6: {  	_ = 	snop  }
0x7: {  	_ = 	snop  }
__scs_overlays_trampoline_lowered:
0x8: {  	[smem:$0x3FAF] =	sst s0  }
0x9: {  	[smem:$0x3FB0] =	sst s1  }
0xa: {  	[smem:$0x3FB1] =	sst s2  }
0xb: {  	[smem:$0x3FB2] =	sst s3  }
0xc: {  	[smem:$0x3FB3] =	sst s4  }
0xd: {  	[smem:$0x3FB4] =	sst s5  }
0xe: {  	[smem:$0x3FB5] =	sst s6  }
0xf: {  	[smem:$0x3FB6] =	sst s7  }
0x10: {  	[smem:$0x3FB7] =	sst s8  }
0x11: {  	[smem:$0x3FB8] =	sst s9;
	s0 =	simm.s32 @!p0 $0x0  }
0x12: {  	s1 =	sld [smem:$0x3F9E];
	s0 =	simm.s32 @p0 $0x1  }
0x13: {  	[smem:$0x3FB9] =	sst s0;
	s0 =	simm.s32 @!p1 $0x0  }
0x14: {  	s2 =	sld [smem:$0x3F9D];
	s0 =	simm.s32 @p1 $0x1  }
0x15: {  	[smem:$0x3FBA] =	sst s0;
	s0 =	simm.s32 @!p2 $0x0  }
0x16: {  	s3 =	sld [smem:$0x3FDB];
	s0 =	simm.s32 @p2 $0x1  }
0x17: {  	s4 =	simm.s32 $0x1BF5;
	[smem:$0x3FBC] =	sst s0  }
0x18: {  	s0 =	sld [smem:$0x3F9F];
	_ =	swait.ge [sflag:s4], $0x0  }
0x19: {  	s7 =	sld [smem:$0x3FA0]  }
0x1a: {  	s8 =	sadd.s32 $0xFFFFE003, lr  }
0x1b: {  	s9 =	sadd.s32 $0xFFFFFEF7, lr;
	s5 =	simm.s32 $0xFFFFFFFF;
	p2 =	slt.u32 s8, $0xFFFFF086  }
0x1c: {  	p1 =	slt.u32 s9, $0xF7A;
	s5 =	simm.s32 @!p2 $0x0  }
0x1d: {  	s5 =	simm.s32 @p1 $0x1;
	p0 =	seq.s32 s7, s2  }
0x1e: {  	s7 =	smul.u32 @!p0 $0xF7A, s2;
	p2 =	seq.s32 @!p0 s5, $0x0  }
0x1f: {  	s9 =	smul.u32 $0xF7A, s1;
	s8 =	simm.s32 @!p0 $0x1BF5;
	p2 =	por !p2, p0  }
0x20: {  	[sflag:s8] =	ssyncset.s32 @!p0 $0xFFFFF086;
	s6 =	sadd.s32 @!p0 s3, s7;
	s7 =	simm.s32 @!p0 $0x108  }
0x21: {  	s3 =	sadd.s32 s3, s9;
	s6 =	sadd.s32 @!p0 $0x88, s6;
	s7 =	simm.s32 @p2 $0x1082  }
0x22: {  	[simem:s7], [sflag:s8] =	dma.local @!p0 [hbm:s6], $0xF7A  }
0x23: {  	s9 =	sor.u32 $0xD0000000, s2;
	s6 =	simm.s32 $0x108;
	_ =	swait.ge @!p0 [sflag:s8], $0x0  }
0x24: {  	s3 =	sadd.s32 $0x88, s3;
	s6 =	simm.s32 @!p1 $0x1082;
	[sflag:s4] =	ssyncset.s32 $0xFFFFF086  }
0x25: {  	[simem:s6], [sflag:s4] =	dma.local [hbm:s3], $0xF7A  }
0x26: {  	[smem:$0x3FA0] =	sst s1;
	(tag) =	ssettag s2;
	_ =	strace s9  }
0x27: {  	s1 =	sld [smem:$0x3FB0]  }
0x28: {  	s2 =	sld [smem:$0x3FB1]  }
0x29: {  	s4 =	sld [smem:$0x3FB3]  }
0x2a: {  	p0 =	seq.s32 s5, $0x0;
	s5 =	sld [smem:$0x3FB4]  }
0x2b: {  	s6 =	sld [smem:$0x3FB5]  }
0x2c: {  	s7 =	sld [smem:$0x3FB6]  }
0x2d: {  	s3 =	simm.s32 $0x108;
	s8 =	sld [smem:$0x3FB7]  }
0x2e: {  	s3 =	simm.s32 @!p0 $0x1082;
	s9 =	sld [smem:$0x3FB8]  }
0x2f: {  	lr =	sadd.s32 s0, s3;
	s0 =	sld [smem:$0x3FAF]  }
0x30: {  	s3 =	sld [smem:$0x3FB2]  }
0x31: {  	[smem:$0x3FBB] =	sst s10  }
0x32: {  	s10 =	sld [smem:$0x3FB9];
	_ =	sdelay $0x3  }
0x33: {  	p0 =	seq.s32 s10, $0x1;
	s10 =	sld [smem:$0x3FBB];
	_ =	sdelay $0x3  }
0x34: {  	[smem:$0x3FBB] =	sst s10  }
0x35: {  	s10 =	sld [smem:$0x3FBA];
	_ =	sdelay $0x3  }
0x36: {  	p1 =	seq.s32 s10, $0x1;
	s10 =	sld [smem:$0x3FBB];
	_ =	sdelay $0x3  }
0x37: {  	[smem:$0x3FBB] =	sst s10  }
0x38: {  	s10 =	sld [smem:$0x3FBC]  }
0x39: {  	_ = 	snop;
	(pc) =	sbr.ind lr, $3  }
0x3a: {  	_ = 	snop  }
0x3b: {  	_ = 	snop  }
0x3c: {  	p2 =	seq.s32 s10, $0x1;
	s10 =	sld [smem:$0x3FBB]  }
0x3d: {  	_ =	shalt  }
0x3e: {  	_ =	shalt  }
0x3f: {  	_ =	shalt  }
0x40: {  	_ =	shalt  }
0x41: {  	_ =	shalt  }
0x42: {  	_ =	shalt  }
0x43: {  	_ =	shalt  }
0x44: {  	_ =	shalt  }
0x45: {  	_ =	shalt  }
0x46: {  	_ =	shalt  }
0x47: {  	_ =	shalt  }
0x48: {  	_ =	shalt  }
0x49: {  	_ =	shalt  }
0x4a: {  	_ =	shalt  }
0x4b: {  	_ =	shalt  }
0x4c: {  	_ =	shalt  }
0x4d: {  	_ =	shalt  }
0x4e: {  	_ =	shalt  }
0x4f: {  	_ =	shalt  }
0x50: {  	_ =	shalt  }
0x51: {  	_ =	shalt  }
0x52: {  	_ =	shalt  }
0x53: {  	_ =	shalt  }
0x54: {  	_ =	shalt  }
0x55: {  	_ =	shalt  }
0x56: {  	_ =	shalt  }
0x57: {  	_ =	shalt  }
0x58: {  	_ =	shalt  }
0x59: {  	_ =	shalt  }
0x5a: {  	_ =	shalt  }
0x5b: {  	_ =	shalt  }
0x5c: {  	_ =	shalt  }
0x5d: {  	_ =	shalt  }
0x5e: {  	_ =	shalt  }
0x5f: {  	_ =	shalt  }
0x60: {  	_ =	shalt  }
0x61: {  	_ =	shalt  }
0x62: {  	_ =	shalt  }
0x63: {  	_ =	shalt  }
0x64: {  	_ =	shalt  }
0x65: {  	_ =	shalt  }
0x66: {  	_ =	shalt  }
0x67: {  	_ =	shalt  }
0x68: {  	_ =	shalt  }
0x69: {  	_ =	shalt  }
0x6a: {  	_ =	shalt  }
0x6b: {  	_ =	shalt  }
0x6c: {  	_ =	shalt  }
0x6d: {  	_ =	shalt  }
0x6e: {  	_ =	shalt  }
0x6f: {  	_ =	shalt  }
0x70: {  	_ =	shalt  }
0x71: {  	_ =	shalt  }
0x72: {  	_ =	shalt  }
0x73: {  	_ =	shalt  }
0x74: {  	_ =	shalt  }
0x75: {  	_ =	shalt  }
0x76: {  	_ =	shalt  }
0x77: {  	_ =	shalt  }
0x78: {  	_ =	shalt  }
0x79: {  	_ =	shalt  }
0x7a: {  	_ =	shalt  }
0x7b: {  	_ =	shalt  }
0x7c: {  	_ =	shalt  }
0x7d: {  	_ =	shalt  }
0x7e: {  	_ =	shalt  }
0x7f: {  	_ =	shalt  }
0x80: {  	_ =	shalt  }
0x81: {  	_ =	shalt  }
0x82: {  	_ =	shalt  }
0x83: {  	_ =	shalt  }
0x84: {  	_ =	shalt  }
0x85: {  	_ =	shalt  }
0x86: {  	_ =	shalt  }
0x87: {  	_ =	shalt  }
.Lfunc_end0:
.L_simem_size_0:
called_computation_lowered:
.L_overlay_start_0:
0x88: {  	s2 =	sld [smem:$0x3FD9]  }
0x89: {  	s3 =	sld [smem:$0x3FFE];
	_ =	sdelay $0x1  }
0x8a: {  	s1 =	srdreg.scid  }
0x8b: {  	s0 =	sand.u32 $0x1, s1  }
0x8c: {  	s18 =	sshll.u32 s0, $0xA;
	s2 =	sadd.s32 s3, s2  }
0x8d: {  	s2 =	sadd.s32 s2, s18  }
0x8e: {  	[smem:$0x3FC7] =	sst s2  }
0x8f: {  	_ = 	snop  }
0x90: {  	s2 =	sld [smem:$0x3FC9]  }
0x91: {  	s19 =	sld [smem:$0x3FD0];
	(tm) =	ssettm $0x1  }
0x92: {  	s4 =	sld [smem:$0x3FFB];
	_ =	sdelay $0x3  }
0x93: {  	_ =	strace s4  }
0x94: {  	s4 =	sld [smem:$0x3FFC];
	_ =	sdelay $0x3  }
0x95: {  	_ =	strace s4  }
0x96: {  	s4 =	sld [smem:$0x3FFD];
	_ =	sdelay $0x3  }
0x97: {  	_ =	strace s4  }
0x98: {  	_ =	strace $0x8FFFFFFF  }
0x99: {  	s20 =	sld [smem:$0x3FDB];
	_ =	sdelay $0x1  }
0x9a: {  	s5 =	simm.s32 $_scs_section_size  }
0x9b: {  	s6 =	simm.s32 $_size__tile_overlayer_lowered;
	s7 =	simm.s32 $_tile_overlayer_lowered  }
0x9c: {  	s23 =	simm.s32 $0x1BFF;
	s22 =	sshll.u32 s7, $0x1;
	s4 =	sadd.s32 s5, s20  }
0x9d: {  	s8 =	simm.s32 $0x0;
	s21 =	sshll.u32 s6, $0x1;
	s6 =	sadd.s32 s22, s4  }
0x9e: {  	[timem:s8], [sflag:s23] =	dma.local [hbm:s6], s21  }
0x9f: {  	_ =	swait.ge [sflag:s23], s21  }
0xa0: {  	s5 =	ssub.s32 $0x0, s21;
	[sflag:s23] =	ssyncset.done $0x0  }
0xa1: {  	[sflag:s23] =	ssyncadd.s32 s5;
	_ =	sdelay $0x1  }
0xa2: {  	s24 =	simm.s32 $0x1B8B  }
0xa3: {  	_ =	swait.ge [sflag:s24], $0x1  }
0xa4: {  	[sflag:s24] =	ssyncset.done $0x0  }
0xa5: {  	s25 =	simm.s32 $0x1B8E;
	[sflag:s24] =	ssyncadd.s32 $0xFFFFFFFF  }
0xa6: {  	s26 =	simm.s32 $execute0_lowered;
	[smem:$0x3FD2] =	sst s25  }
0xa7: {  	s5 =	sshll.u32 s26, $0x1;
	_ =	strace $0x80000046;
	[dreg:$0x1] =	wrdreg $0xFFFFFFFF  }
0xa8: {  	s28 =	simm.s32 $_size_execute0_lowered;
	s4 =	sadd.s32 s4, s5;
	[dreg:$0x0] =	wrdreg $0x0  }
0xa9: {  	s5 =	sshll.u32 s28, $0x1;
	[dreg:$0x2] =	wrdreg s4  }
0xaa: {  	[dreg:$0x3] =	wrdreg s5  }
0xab: {  	[dreg:$0x4] =	wrdreg $0xC0  }
0xac: {  	_ =	task [dreg:s8], $0x5FFFF  }
0xad: {  	[dreg:$0x1] =	wrdreg $0xFFFFFFFF  }
0xae: {  	[dreg:$0x0] =	wrdreg $0x60  }
0xaf: {  	[dreg:$0x2] =	wrdreg s2  }
0xb0: {  	[dreg:$0x3] =	wrdreg s19  }
0xb1: {  	[dreg:$0x4] =	wrdreg $0x9  }
0xb2: {  	_ =	task.clear_ibuf [dreg:s8], $0x5FFFF;
	_ =	strace $0x90000046  }
0xb3: {  	s29 =	simm.s32 $0x9;
	_ =	strace $0x80000048  }
0xb4: {  	_ =	swait.ge [sflag:s29], $0x1  }
0xb5: {  	[sflag:s29] =	ssyncadd.s32 $0xFFFFFFFF  }
0xb6: {  	_ =	strace $0x90000048  }
0xb7: {  	_ =	sfence  }
0xb8: {  	s30 =	sld [smem:$0x0];
	_ =	sdelay $0x2  }
0xb9: {  	s31 =	sshll.u32 s1, $0xD;
	s1 =	sshrl.u32 s1, $0x2  }
0xba: {  	s3 =	sand.u32 $0x4000, s31;
	s1 =	sadd.s32 s1, s30  }
0xbb: {  	s0 =	sor.u32 s3, s0;
	s1 =	sshll.u32 s1, $0x11  }
0xbc: {  	s0 =	sor.u32 s1, s0  }
0xbd: {  	s0 =	sadd.s32 $0x8F2B, s0  }
0xbe: {  	[sflag:s0] =	ssyncadd.remote.s32 $0x1  }
0xbf: {  	_ =	sfence.sel $0xFFFF  }
0xc0: {  	[dreg:$0x0] =	wrdreg $0xFFFFFFFF;
	(pc) =	sbr.abs _section_cstart, $3  }
0xc1: {  	[dreg:$0x1] =	wrdreg $0xFFFFFFFF  }
0xc2: {  	_ =	task.clear_ibuf [dreg:s8], $0x2FFFF;
	_ =	strace $0x9FFFFFFF  }
0xc3: {  	(tm) =	ssettm $0x7FFFFFFF  }
tec
execute0_lowered:
.L_overlay_start_1:
0x0: {  	(tag) =	ssettag $0x1  }
0x1: {  	s0 =	srdreg.scid  }
0x2: {  	s1 =	stileid.u32;
	s0 =	sand.u32 $0x1, s0  }
0x3: {  	s22 =	rddreg [dreg:$0x0];
	s3 =	sshll.u32 s1, $0x10;
	s4 =	sshll.u32 s0, $0xF  }
0x4: {  	s28 =	rddreg [dreg:$0x1];
	s2 =	simm.s32 $0x0;
	s23 =	sor.u32 s4, s3  }
0x5: {  	[smem:$0x7FF] =	sst s2;
	s3 =	sadd.s32 s22, s23  }
0x6: {  	_ =	strace $0x80000047;
	[dreg:$0x3] =	wrdreg s3  }
0x7: {  	s13 =	sor.u32 $0x800, s23;
	s3 =	rddreg [dreg:$0x3]  }
0x8: {  	[tilespmem:s2], [sflag:$0x1] =	stream.linear.gather [hbm4b:s3+s2], $0x4000, $0x38;
	[tilespmem:$0x1E000] =	vst v63  }
0x9: {  	s5 =	simm.s32 $0x1;
	s4 =	simm.s32 $0xE000;
	s3 =	sadd.s32 s22, s13  }
0xa: {  	[tilespmem:s4], [sflag:$0x2] =	stream.linear.gather [hbm4b:s3+s2], $0x10000, $0x38;
	[tilespmem:$0x1E000] =	vst v63  }
0xb: {  	_ =	swait.ge [sflag:s5], $0x4000  }
0xc: {  	[sflag:s5] =	ssyncset.done $0x0  }
0xd: {  	s6 =	simm.s32 $0x3;
	s7 =	sadd.s32 s28, s23;
	[sflag:s5] =	ssyncadd.s32 $0xFFFFC000  }
0xe: {  	[hbm4b:s7+s2] =	stream.linear.scatter [tilespmem:s2], [sflag:$0x3], $0x4000, $0x38;
	[tilespmem:$0x1E000] =	vst v63  }
0xf: {  	_ =	swait.ge [sflag:s6], $0x4000  }
0x10: {  	[sflag:s6] =	ssyncset.done $0x0  }
0x11: {  	s8 =	sadd.s32 $0x100000, s7;
	[sflag:s6] =	ssyncadd.s32 $0xFFFFC000  }
0x12: {  	[hbm4b:s8+s2] =	stream.linear.scatter [tilespmem:s2], [sflag:$0x3], $0x4000, $0x38;
	[tilespmem:$0x1E000] =	vst v63  }
0x13: {  	_ =	swait.ge [sflag:s6], $0x4000  }
0x14: {  	[sflag:s6] =	ssyncset.done $0x0  }
0x15: {  	s9 =	sadd.s32 $0x200000, s7;
	[sflag:s6] =	ssyncadd.s32 $0xFFFFC000  }
0x16: {  	[hbm4b:s9+s2] =	stream.linear.scatter [tilespmem:s2], [sflag:$0x3], $0x4000, $0x38;
	[tilespmem:$0x1E000] =	vst v63  }
0x17: {  	_ =	swait.ge [sflag:s6], $0x4000  }
0x18: {  	[sflag:s6] =	ssyncset.done $0x0  }
0x19: {  	s10 =	sadd.s32 $0x300000, s7;
	[sflag:s6] =	ssyncadd.s32 $0xFFFFC000  }
0x1a: {  	[hbm4b:s10+s2] =	stream.linear.scatter [tilespmem:s2], [sflag:$0x3], $0x4000, $0x38;
	[tilespmem:$0x1E000] =	vst v63  }
0x1b: {  	_ =	swait.ge [sflag:s6], $0x4000  }
0x1c: {  	s18 =	sor.u32 $0x2800, s23;
	[sflag:s6] =	ssyncset.done $0x0  }
0x1d: {  	s12 =	simm.s32 $0x2;
	s11 =	sadd.s32 s22, s18;
	[sflag:s6] =	ssyncadd.s32 $0xFFFFC000  }
0x1e: {  	[tilespmem:s2], [sflag:$0x1] =	stream.linear.gather [hbm4b:s11+s2], $0xE000, $0x38;
	[tilespmem:$0x1E000] =	vst v63  }
0x1f: {  	_ =	swait.ge [sflag:s12], $0x10000  }
0x20: {  	[sflag:s12] =	ssyncset.done $0x0  }
0x21: {  	s13 =	sadd.s32 s28, s13;
	[sflag:s12] =	ssyncadd.s32 $0xFFFF0000  }
0x22: {  	[hbm4b:s13+s2] =	stream.linear.scatter [tilespmem:s4], [sflag:$0x3], $0x10000, $0x38;
	[tilespmem:$0x1E000] =	vst v63  }
0x23: {  	_ =	swait.ge [sflag:s6], $0x10000  }
0x24: {  	[sflag:s6] =	ssyncset.done $0x0  }
0x25: {  	s14 =	sadd.s32 $0x100800, s7;
	[sflag:s6] =	ssyncadd.s32 $0xFFFF0000  }
0x26: {  	[hbm4b:s14+s2] =	stream.linear.scatter [tilespmem:s4], [sflag:$0x3], $0x10000, $0x38;
	[tilespmem:$0x1E000] =	vst v63  }
0x27: {  	_ =	swait.ge [sflag:s6], $0x10000  }
0x28: {  	[sflag:s6] =	ssyncset.done $0x0  }
0x29: {  	s15 =	sadd.s32 $0x200800, s7;
	[sflag:s6] =	ssyncadd.s32 $0xFFFF0000  }
0x2a: {  	[hbm4b:s15+s2] =	stream.linear.scatter [tilespmem:s4], [sflag:$0x3], $0x10000, $0x38;
	[tilespmem:$0x1E000] =	vst v63  }
0x2b: {  	_ =	swait.ge [sflag:s6], $0x10000  }
0x2c: {  	[sflag:s6] =	ssyncset.done $0x0  }
0x2d: {  	s16 =	sadd.s32 $0x300800, s7;
	[sflag:s6] =	ssyncadd.s32 $0xFFFF0000  }
0x2e: {  	[hbm4b:s16+s2] =	stream.linear.scatter [tilespmem:s4], [sflag:$0x3], $0x10000, $0x38;
	[tilespmem:$0x1E000] =	vst v63  }
0x2f: {  	_ =	swait.ge [sflag:s6], $0x10000  }
0x30: {  	s24 =	sor.u32 $0x4400, s23;
	[sflag:s6] =	ssyncset.done $0x0  }
0x31: {  	s17 =	sadd.s32 s22, s24;
	[sflag:s6] =	ssyncadd.s32 $0xFFFF0000  }
0x32: {  	[tilespmem:s4], [sflag:$0x2] =	stream.linear.gather [hbm4b:s17+s2], $0x10000, $0x38;
	[tilespmem:$0x1E000] =	vst v63  }
0x33: {  	_ =	swait.ge [sflag:s5], $0xE000  }
0x34: {  	[sflag:s5] =	ssyncset.done $0x0  }
0x35: {  	s18 =	sadd.s32 s28, s18;
	[sflag:s5] =	ssyncadd.s32 $0xFFFF2000  }
0x36: {  	[hbm4b:s18+s2] =	stream.linear.scatter [tilespmem:s2], [sflag:$0x3], $0xE000, $0x38;
	[tilespmem:$0x1E000] =	vst v63  }
0x37: {  	_ =	swait.ge [sflag:s6], $0xE000  }
0x38: {  	[sflag:s6] =	ssyncset.done $0x0  }
0x39: {  	s19 =	sadd.s32 $0x102800, s7;
	[sflag:s6] =	ssyncadd.s32 $0xFFFF2000  }
0x3a: {  	[hbm4b:s19+s2] =	stream.linear.scatter [tilespmem:s2], [sflag:$0x3], $0xE000, $0x38;
	[tilespmem:$0x1E000] =	vst v63  }
0x3b: {  	_ =	swait.ge [sflag:s6], $0xE000  }
0x3c: {  	[sflag:s6] =	ssyncset.done $0x0  }
0x3d: {  	s20 =	sadd.s32 $0x202800, s7;
	[sflag:s6] =	ssyncadd.s32 $0xFFFF2000  }
0x3e: {  	[hbm4b:s20+s2] =	stream.linear.scatter [tilespmem:s2], [sflag:$0x3], $0xE000, $0x38;
	[tilespmem:$0x1E000] =	vst v63  }
0x3f: {  	_ =	swait.ge [sflag:s6], $0xE000  }
0x40: {  	[sflag:s6] =	ssyncset.done $0x0  }
0x41: {  	s21 =	sadd.s32 $0x302800, s7;
	[sflag:s6] =	ssyncadd.s32 $0xFFFF2000  }
0x42: {  	[hbm4b:s21+s2] =	stream.linear.scatter [tilespmem:s2], [sflag:$0x3], $0xE000, $0x38;
	[tilespmem:$0x1E000] =	vst v63  }
0x43: {  	_ =	swait.ge [sflag:s6], $0xE000  }
0x44: {  	s29 =	sor.u32 $0x6400, s23;
	[sflag:s6] =	ssyncset.done $0x0  }
0x45: {  	s22 =	sadd.s32 s22, s29;
	[sflag:s6] =	ssyncadd.s32 $0xFFFF2000  }
0x46: {  	[tilespmem:s2], [sflag:$0x1] =	stream.linear.gather [hbm4b:s22+s2], $0xE000, $0x38;
	[tilespmem:$0x1E000] =	vst v63  }
0x47: {  	_ =	swait.ge [sflag:s12], $0x10000  }
0x48: {  	[sflag:s12] =	ssyncset.done $0x0  }
0x49: {  	s23 =	sadd.s32 s28, s24;
	[sflag:s12] =	ssyncadd.s32 $0xFFFF0000  }
0x4a: {  	[hbm4b:s23+s2] =	stream.linear.scatter [tilespmem:s4], [sflag:$0x3], $0x10000, $0x38;
	[tilespmem:$0x1E000] =	vst v63  }
0x4b: {  	_ =	swait.ge [sflag:s6], $0x10000  }
0x4c: {  	[sflag:s6] =	ssyncset.done $0x0  }
0x4d: {  	s24 =	sadd.s32 $0x104400, s7;
	[sflag:s6] =	ssyncadd.s32 $0xFFFF0000  }
0x4e: {  	[hbm4b:s24+s2] =	stream.linear.scatter [tilespmem:s4], [sflag:$0x3], $0x10000, $0x38;
	[tilespmem:$0x1E000] =	vst v63  }
0x4f: {  	_ =	swait.ge [sflag:s6], $0x10000  }
0x50: {  	[sflag:s6] =	ssyncset.done $0x0  }
0x51: {  	s25 =	sadd.s32 $0x204400, s7;
	[sflag:s6] =	ssyncadd.s32 $0xFFFF0000  }
0x52: {  	[hbm4b:s25+s2] =	stream.linear.scatter [tilespmem:s4], [sflag:$0x3], $0x10000, $0x38;
	[tilespmem:$0x1E000] =	vst v63  }
0x53: {  	_ =	swait.ge [sflag:s6], $0x10000  }
0x54: {  	[sflag:s6] =	ssyncset.done $0x0  }
0x55: {  	s26 =	sadd.s32 $0x304400, s7;
	[sflag:s6] =	ssyncadd.s32 $0xFFFF0000  }
0x56: {  	[hbm4b:s26+s2] =	stream.linear.scatter [tilespmem:s4], [sflag:$0x3], $0x10000, $0x38;
	[tilespmem:$0x1E000] =	vst v63  }
0x57: {  	_ =	swait.ge [sflag:s6], $0x10000  }
0x58: {  	[sflag:s6] =	ssyncset.done $0x0  }
0x59: {  	[sflag:s6] =	ssyncadd.s32 $0xFFFF0000  }
0x5a: {  	_ =	swait.ge [sflag:s5], $0xE000  }
0x5b: {  	[sflag:s5] =	ssyncset.done $0x0  }
0x5c: {  	s28 =	sadd.s32 s28, s29;
	[sflag:s5] =	ssyncadd.s32 $0xFFFF2000  }
0x5d: {  	[hbm4b:s28+s2] =	stream.linear.scatter [tilespmem:s2], [sflag:$0x3], $0xE000, $0x38;
	[tilespmem:$0x1E000] =	vst v63  }
0x5e: {  	_ =	swait.ge [sflag:s6], $0xE000  }
0x5f: {  	s0 =	ssub.s32 $0x2, s0;
	[sflag:s6] =	ssyncset.done $0x0  }
0x60: {  	s31 =	sshrl.u32 s0, $0x1;
	s29 =	sadd.s32 $0x106400, s7;
	[sflag:s6] =	ssyncadd.s32 $0xFFFF2000  }
0x61: {  	[hbm4b:s29+s2] =	stream.linear.scatter [tilespmem:s2], [sflag:$0x3], $0xE000, $0x38;
	[tilespmem:$0x1E000] =	vst v63  }
0x62: {  	s0 =	ssub.s32 s0, s31;
	_ =	swait.ge [sflag:s6], $0xE000  }
0x63: {  	s0 =	smax.u32 s0, $0x1;
	[sflag:s6] =	ssyncset.done $0x0  }
0x64: {  	s30 =	sadd.s32 $0x206400, s7;
	p0 =	sne.s32 s0, $0x1;
	[sflag:s6] =	ssyncadd.s32 $0xFFFF2000  }
0x65: {  	[hbm4b:s30+s2] =	stream.linear.scatter [tilespmem:s2], [sflag:$0x3], $0xE000, $0x38;
	[tilespmem:$0x1E000] =	vst v63  }
.Ltmp0:
0x66: {  	_ =	swait.ge [sflag:s6], $0xE000;
	(pc) =	sbr.rel @!p0 .LBB2_2-.Ltmp0, $4  }
0x67: {  	[sflag:s6] =	ssyncset.done $0x0  }
0x68: {  	s31 =	sadd.s32 $0x306400, s7;
	[sflag:s6] =	ssyncadd.s32 $0xFFFF2000  }
0x69: {  	[hbm4b:s31+s2] =	stream.linear.scatter [tilespmem:s2], [sflag:$0x3], $0xE000, $0x38;
	[tilespmem:$0x1E000] =	vst v63  }
0x6a: {  	s0 =	sadd.s32 $0xFFFFFFFF, s0;
	_ =	swait.ge [sflag:s6], $0xE000  }
.LBB2_1:
0x6b: {  	[sflag:s6] =	ssyncset.done $0x0  }
0x6c: {  	s1 =	rddreg [dreg:$0x3];
	[sflag:s6] =	ssyncadd.s32 $0xFFFF2000  }
0x6d: {  	[tilespmem:s2], [sflag:$0x1] =	stream.linear.gather [hbm4b:s1+s2], $0x4000, $0x38;
	[tilespmem:$0x1E000] =	vst v63  }
0x6e: {  	_ = 	snop  }
0x6f: {  	[tilespmem:s4], [sflag:$0x2] =	stream.linear.gather [hbm4b:s3+s2], $0x10000, $0x38;
	[tilespmem:$0x1E000] =	vst v63  }
0x70: {  	_ =	swait.ge [sflag:s5], $0x4000  }
0x71: {  	[sflag:s5] =	ssyncset.done $0x0  }
0x72: {  	[sflag:s5] =	ssyncadd.s32 $0xFFFFC000  }
0x73: {  	[hbm4b:s7+s2] =	stream.linear.scatter [tilespmem:s2], [sflag:$0x3], $0x4000, $0x38;
	[tilespmem:$0x1E000] =	vst v63  }
0x74: {  	_ =	swait.ge [sflag:s6], $0x4000  }
0x75: {  	[sflag:s6] =	ssyncset.done $0x0  }
0x76: {  	[sflag:s6] =	ssyncadd.s32 $0xFFFFC000  }
0x77: {  	[hbm4b:s8+s2] =	stream.linear.scatter [tilespmem:s2], [sflag:$0x3], $0x4000, $0x38;
	[tilespmem:$0x1E000] =	vst v63  }
0x78: {  	_ =	swait.ge [sflag:s6], $0x4000  }
0x79: {  	[sflag:s6] =	ssyncset.done $0x0  }
0x7a: {  	[sflag:s6] =	ssyncadd.s32 $0xFFFFC000  }
0x7b: {  	[hbm4b:s9+s2] =	stream.linear.scatter [tilespmem:s2], [sflag:$0x3], $0x4000, $0x38;
	[tilespmem:$0x1E000] =	vst v63  }
0x7c: {  	_ =	swait.ge [sflag:s6], $0x4000  }
0x7d: {  	[sflag:s6] =	ssyncset.done $0x0  }
0x7e: {  	[sflag:s6] =	ssyncadd.s32 $0xFFFFC000  }
0x7f: {  	[hbm4b:s10+s2] =	stream.linear.scatter [tilespmem:s2], [sflag:$0x3], $0x4000, $0x38;
	[tilespmem:$0x1E000] =	vst v63  }
0x80: {  	_ =	swait.ge [sflag:s6], $0x4000  }
0x81: {  	[sflag:s6] =	ssyncset.done $0x0  }
0x82: {  	[sflag:s6] =	ssyncadd.s32 $0xFFFFC000  }
0x83: {  	[tilespmem:s2], [sflag:$0x1] =	stream.linear.gather [hbm4b:s11+s2], $0xE000, $0x38;
	[tilespmem:$0x1E000] =	vst v63  }
0x84: {  	_ =	swait.ge [sflag:s12], $0x10000  }
0x85: {  	[sflag:s12] =	ssyncset.done $0x0  }
0x86: {  	[sflag:s12] =	ssyncadd.s32 $0xFFFF0000  }
0x87: {  	[hbm4b:s13+s2] =	stream.linear.scatter [tilespmem:s4], [sflag:$0x3], $0x10000, $0x38;
	[tilespmem:$0x1E000] =	vst v63  }
0x88: {  	_ =	swait.ge [sflag:s6], $0x10000  }
0x89: {  	[sflag:s6] =	ssyncset.done $0x0  }
0x8a: {  	[sflag:s6] =	ssyncadd.s32 $0xFFFF0000  }
0x8b: {  	[hbm4b:s14+s2] =	stream.linear.scatter [tilespmem:s4], [sflag:$0x3], $0x10000, $0x38;
	[tilespmem:$0x1E000] =	vst v63  }
0x8c: {  	_ =	swait.ge [sflag:s6], $0x10000  }
0x8d: {  	[sflag:s6] =	ssyncset.done $0x0  }
0x8e: {  	[sflag:s6] =	ssyncadd.s32 $0xFFFF0000  }
0x8f: {  	[hbm4b:s15+s2] =	stream.linear.scatter [tilespmem:s4], [sflag:$0x3], $0x10000, $0x38;
	[tilespmem:$0x1E000] =	vst v63  }
0x90: {  	_ =	swait.ge [sflag:s6], $0x10000  }
0x91: {  	[sflag:s6] =	ssyncset.done $0x0  }
0x92: {  	[sflag:s6] =	ssyncadd.s32 $0xFFFF0000  }
0x93: {  	[hbm4b:s16+s2] =	stream.linear.scatter [tilespmem:s4], [sflag:$0x3], $0x10000, $0x38;
	[tilespmem:$0x1E000] =	vst v63  }
0x94: {  	_ =	swait.ge [sflag:s6], $0x10000  }
0x95: {  	[sflag:s6] =	ssyncset.done $0x0  }
0x96: {  	[sflag:s6] =	ssyncadd.s32 $0xFFFF0000  }
0x97: {  	[tilespmem:s4], [sflag:$0x2] =	stream.linear.gather [hbm4b:s17+s2], $0x10000, $0x38;
	[tilespmem:$0x1E000] =	vst v63  }
0x98: {  	_ =	swait.ge [sflag:s5], $0xE000  }
0x99: {  	[sflag:s5] =	ssyncset.done $0x0  }
0x9a: {  	[sflag:s5] =	ssyncadd.s32 $0xFFFF2000  }
0x9b: {  	[hbm4b:s18+s2] =	stream.linear.scatter [tilespmem:s2], [sflag:$0x3], $0xE000, $0x38;
	[tilespmem:$0x1E000] =	vst v63  }
0x9c: {  	_ =	swait.ge [sflag:s6], $0xE000  }
0x9d: {  	[sflag:s6] =	ssyncset.done $0x0  }
0x9e: {  	[sflag:s6] =	ssyncadd.s32 $0xFFFF2000  }
0x9f: {  	[hbm4b:s19+s2] =	stream.linear.scatter [tilespmem:s2], [sflag:$0x3], $0xE000, $0x38;
	[tilespmem:$0x1E000] =	vst v63  }
0xa0: {  	_ =	swait.ge [sflag:s6], $0xE000  }
0xa1: {  	[sflag:s6] =	ssyncset.done $0x0  }
0xa2: {  	[sflag:s6] =	ssyncadd.s32 $0xFFFF2000  }
0xa3: {  	[hbm4b:s20+s2] =	stream.linear.scatter [tilespmem:s2], [sflag:$0x3], $0xE000, $0x38;
	[tilespmem:$0x1E000] =	vst v63  }
0xa4: {  	_ =	swait.ge [sflag:s6], $0xE000  }
0xa5: {  	[sflag:s6] =	ssyncset.done $0x0  }
0xa6: {  	[sflag:s6] =	ssyncadd.s32 $0xFFFF2000  }
0xa7: {  	[hbm4b:s21+s2] =	stream.linear.scatter [tilespmem:s2], [sflag:$0x3], $0xE000, $0x38;
	[tilespmem:$0x1E000] =	vst v63  }
0xa8: {  	_ =	swait.ge [sflag:s6], $0xE000  }
0xa9: {  	[sflag:s6] =	ssyncset.done $0x0  }
0xaa: {  	[sflag:s6] =	ssyncadd.s32 $0xFFFF2000  }
0xab: {  	[tilespmem:s2], [sflag:$0x1] =	stream.linear.gather [hbm4b:s22+s2], $0xE000, $0x38;
	[tilespmem:$0x1E000] =	vst v63  }
0xac: {  	_ =	swait.ge [sflag:s12], $0x10000  }
0xad: {  	[sflag:s12] =	ssyncset.done $0x0  }
0xae: {  	[sflag:s12] =	ssyncadd.s32 $0xFFFF0000  }
0xaf: {  	[hbm4b:s23+s2] =	stream.linear.scatter [tilespmem:s4], [sflag:$0x3], $0x10000, $0x38;
	[tilespmem:$0x1E000] =	vst v63  }
0xb0: {  	_ =	swait.ge [sflag:s6], $0x10000  }
0xb1: {  	[sflag:s6] =	ssyncset.done $0x0  }
0xb2: {  	[sflag:s6] =	ssyncadd.s32 $0xFFFF0000  }
0xb3: {  	[hbm4b:s24+s2] =	stream.linear.scatter [tilespmem:s4], [sflag:$0x3], $0x10000, $0x38;
	[tilespmem:$0x1E000] =	vst v63  }
0xb4: {  	_ =	swait.ge [sflag:s6], $0x10000  }
0xb5: {  	[sflag:s6] =	ssyncset.done $0x0  }
0xb6: {  	[sflag:s6] =	ssyncadd.s32 $0xFFFF0000  }
0xb7: {  	[hbm4b:s25+s2] =	stream.linear.scatter [tilespmem:s4], [sflag:$0x3], $0x10000, $0x38;
	[tilespmem:$0x1E000] =	vst v63  }
0xb8: {  	_ =	swait.ge [sflag:s6], $0x10000  }
0xb9: {  	[sflag:s6] =	ssyncset.done $0x0  }
0xba: {  	[sflag:s6] =	ssyncadd.s32 $0xFFFF0000  }
0xbb: {  	[hbm4b:s26+s2] =	stream.linear.scatter [tilespmem:s4], [sflag:$0x3], $0x10000, $0x38;
	[tilespmem:$0x1E000] =	vst v63  }
0xbc: {  	_ =	swait.ge [sflag:s6], $0x10000  }
0xbd: {  	[sflag:s6] =	ssyncset.done $0x0  }
0xbe: {  	[sflag:s6] =	ssyncadd.s32 $0xFFFF0000  }
0xbf: {  	_ =	swait.ge [sflag:s5], $0xE000  }
0xc0: {  	[sflag:s5] =	ssyncset.done $0x0  }
0xc1: {  	[sflag:s5] =	ssyncadd.s32 $0xFFFF2000  }
0xc2: {  	[hbm4b:s28+s2] =	stream.linear.scatter [tilespmem:s2], [sflag:$0x3], $0xE000, $0x38;
	[tilespmem:$0x1E000] =	vst v63  }
0xc3: {  	_ =	swait.ge [sflag:s6], $0xE000  }
0xc4: {  	[sflag:s6] =	ssyncset.done $0x0  }
0xc5: {  	[sflag:s6] =	ssyncadd.s32 $0xFFFF2000  }
0xc6: {  	[hbm4b:s29+s2] =	stream.linear.scatter [tilespmem:s2], [sflag:$0x3], $0xE000, $0x38;
	[tilespmem:$0x1E000] =	vst v63  }
0xc7: {  	_ =	swait.ge [sflag:s6], $0xE000  }
0xc8: {  	[sflag:s6] =	ssyncset.done $0x0  }
0xc9: {  	p0 =	sne.s32 s0, $0x1;
	[sflag:s6] =	ssyncadd.s32 $0xFFFF2000  }
0xca: {  	[hbm4b:s30+s2] =	stream.linear.scatter [tilespmem:s2], [sflag:$0x3], $0xE000, $0x38;
	[tilespmem:$0x1E000] =	vst v63  }
.Ltmp1:
0xcb: {  	_ =	swait.ge [sflag:s6], $0xE000;
	(pc) =	sbr.rel @p0 .LBB2_1-.Ltmp1, $4  }
0xcc: {  	[sflag:s6] =	ssyncset.done $0x0  }
0xcd: {  	[sflag:s6] =	ssyncadd.s32 $0xFFFF2000  }
0xce: {  	[hbm4b:s31+s2] =	stream.linear.scatter [tilespmem:s2], [sflag:$0x3], $0xE000, $0x38;
	[tilespmem:$0x1E000] =	vst v63  }
0xcf: {  	s0 =	sadd.s32 $0xFFFFFFFF, s0;
	_ =	swait.ge [sflag:s6], $0xE000  }
.LBB2_2:
0xd0: {  	[sflag:s6] =	ssyncset.done $0x0  }
0xd1: {  	[sflag:s6] =	ssyncadd.s32 $0xFFFF2000  }
0xd2: {  	_ =	sfence.sel $0x180000  }
0xd3: {  	[bflag:$0x0] =	sbarrier.arrive $0xFFFF  }
0xd4: {  	_ =	strace $0x90000047  }
0xd5: {  	s0 =	stileid.u32;
	[bflag:$0x2] =	sbarrier.arrive $0xFFFF  }
0xd6: {  	p0 =	sne.s32 s0, $0x0;
	s0 =	rddreg [dreg:$0x2]  }
0xd7: {  	s0 =	sadd.s32 @!p0 $0x100000, s0  }
0xd8: {  	[sflag:s0] =	ssyncadd.tile.s32 @!p0 $0x1;
	_ =	shalt  }
.Lfunc_end2:
_tile_overlayer_lowered:
.L_overlay_start_2:
0xd9: {  	(tag) =	ssettag $0x2  }
0xda: {  	s0 =	rddreg [dreg:$0x0];
	s2 =	stileid.u32  }
0xdb: {  	s1 =	rddreg [dreg:$0x1];
	p0 =	sne.s32 s2, $0x0  }
0xdc: {  	s3 =	rddreg [dreg:$0x2];
	[bflag:$0x3] =	sbarrier.arrive $0xFFFF;
	s2 =	simm.s32 @!p0 $0x1C03  }
0xdd: {  	[timem:s3], [sflag:s2] =	dma.local @!p0 [hbm:s0], s1  }
0xde: {  	s0 =	simm.s32 @!p0 $0x3  }
0xdf: {  	_ =	swait.ge @!p0 [sflag:s0], s1  }
0xe0: {  	s1 =	ssub.s32 @!p0 $0x0, s1;
	[sflag:s0] =	ssyncset.done @!p0 $0x0  }
0xe1: {  	[sflag:s0] =	ssyncadd.s32 @!p0 s1  }
0xe2: {  	[bflag:$0x3] =	sbarrier.arrive $0xFFFF  }
0xe3: {  	_ =	shalt  }

</sc_bundles>
